<compile_context>
chip_gen: v7x
topology: tpu7x:2x2x1
jax: 0.10.2.dev20260603
libtpu: 0.0.44.dev20260713+nightly
codegen_flags: <defaults>
</compile_context>

<pallas_src>
import functools

import jax
import jax.numpy as jnp
from jax import lax
from jax.experimental import pallas as pl
from jax.experimental.pallas import tpu as pltpu
from jax.experimental.pallas import tpu_sc as plsc

N_CLS = 1000
N_CTX = 16
CTX_DIM = 512
BATCH = 4096
SUF_LEN = 60
TOT_LEN = 1 + N_CTX + SUF_LEN

_D = CTX_DIM
_CTX_W = N_CTX * _D

_NC = 2
_NS = 16
_NW = _NC * _NS
_BPW = BATCH // _NW
_CH = 8
_NCHUNK = _BPW // _CH


def _sc_gather_kernel():
    mesh = plsc.VectorSubcoreMesh(core_axis_name="c", subcore_axis_name="s")

    @functools.partial(
        pl.kernel,
        mesh=mesh,
        out_type=jax.ShapeDtypeStruct((BATCH, _CTX_W), jnp.float32),
        scratch_types=[
            pltpu.VMEM((_BPW,), jnp.int32),
            pltpu.VMEM((_CH, _CTX_W), jnp.float32),
            pltpu.SemaphoreType.DMA,
        ],
    )
    def k(label_hbm, ctx_hbm, out_hbm, idx_v, buf, sem):
        wid = lax.axis_index("s") * _NC + lax.axis_index("c")
        base = wid * _BPW

        pltpu.sync_copy(label_hbm.at[pl.ds(base, _BPW)], idx_v.at[...])

        def body(c, carry):
            pltpu.async_copy(
                ctx_hbm.at[idx_v.at[pl.ds(c * _CH, _CH)]], buf, sem).wait()
            pltpu.sync_copy(buf.at[...], out_hbm.at[pl.ds(base + c * _CH, _CH)])
            return carry

        lax.fori_loop(0, _NCHUNK, body, 0)

    return k


_BB = 128


def _tc_suffix(suf_ref, out_ref):
    out_ref[...] = suf_ref[...]


def _tc_suffix_call(suffix_t):
    return pl.pallas_call(
        _tc_suffix,
        grid=(SUF_LEN,),
        in_specs=[pl.BlockSpec((1, BATCH, _D), lambda s: (s, 0, 0))],
        out_specs=pl.BlockSpec((1, BATCH, _D), lambda s: (1 + N_CTX + s, 0, 0)),
        out_shape=jax.ShapeDtypeStruct((TOT_LEN, BATCH, _D), jnp.float32),
    )(suffix_t)


def _tc_head(out1_ref, pref_ref, gath_ref, out_ref):
    out_ref[0, :, :] = pref_ref[:, 0, :]
    for t in range(N_CTX):
        out_ref[1 + t, :, :] = gath_ref[:, t * _D:(t + 1) * _D]


def _tc_head_call(out1, prefix, gathered):
    return pl.pallas_call(
        _tc_head,
        grid=(BATCH // _BB,),
        in_specs=[
            pl.BlockSpec(memory_space=pl.ANY),
            pl.BlockSpec((_BB, 1, _D), lambda i: (i, 0, 0)),
            pl.BlockSpec((_BB, _CTX_W), lambda i: (i, 0)),
        ],
        out_specs=pl.BlockSpec((1 + N_CTX, _BB, _D), lambda i: (0, i, 0)),
        out_shape=jax.ShapeDtypeStruct((TOT_LEN, BATCH, _D), jnp.float32),
        input_output_aliases={0: 0},
    )(out1, prefix, gathered)


def kernel(label, prefix, suffix, ctx):
    label32 = label.astype(jnp.int32).reshape(BATCH)
    suffix_t = suffix.transpose(1, 0, 2)
    out1 = _tc_suffix_call(suffix_t)
    ctx2 = ctx.reshape(N_CLS, _CTX_W)
    gathered = _sc_gather_kernel()(label32, ctx2)
    out_t = _tc_head_call(out1, prefix, gathered)
    return out_t.transpose(1, 0, 2)

# --- scband reference (transcript-rebuilt; emitter-appended) ---
"""Pipeline reference for scband-prompt-learner-59021440581751 (READ-ONLY COPY).

The authoritative reference and input builder live on the scoring server;
editing this copy changes nothing except your own understanding.
"""

import jax, jax.numpy as jnp
import numpy as np

N_CLS = 1000
N_CTX = 16
CTX_DIM = 512
BATCH = 4096
SUF_LEN = 60  # 77 - 1 - N_CTX


def setup_inputs(seed: int = 0) -> dict:
    key = jax.random.key(seed)
    k1, k2, k3, k4 = jax.random.split(key, 4)
    label = jax.random.randint(k1, (BATCH,), 0, N_CLS, dtype=jnp.int64 if jax.config.jax_enable_x64 else jnp.int32)
    prefix = jax.random.normal(k2, (BATCH, 1, CTX_DIM), dtype=jnp.float32)
    suffix = jax.random.normal(k3, (BATCH, SUF_LEN, CTX_DIM), dtype=jnp.float32)
    # learned class-specific context vectors (CSC=True branch): [n_cls, n_ctx, ctx_dim]
    ctx = 0.02 * jax.random.normal(k4, (N_CLS, N_CTX, CTX_DIM), dtype=jnp.float32)
    return {"label": label, "prefix": prefix, "suffix": suffix, "ctx": ctx}


def reference(label, prefix, suffix, ctx):
    # class_token_position == 'end'
    # ctx is 3-D (class-specific), so no unsqueeze/expand needed; gather rows by label
    ctx_gathered = jnp.take(ctx, label, axis=0)  # [B, n_ctx, ctx_dim]
    prompts = jnp.concatenate([prefix, ctx_gathered, suffix], axis=1)  # [B, 77, ctx_dim]
    return prompts

if __name__ == "__main__":
    import jax
    _d = setup_inputs()
    print(jax.jit(kernel)(*tuple(_d.values())))

</pallas_src>

<mosaic_0001>
#map = affine_map<(d0, d1) -> (0)>
#map1 = affine_map<(d0, d1) -> (0, 0)>
module attributes {stable_mosaic.version = 14 : i64} {
  func.func @k(%arg0: i32, %arg1: i32, %arg2: memref<4096xi32, #tpu.memory_space<hbm>>, %arg3: memref<1000x8192xf32, #tpu.memory_space<hbm>>, %arg4: memref<4096x8192xf32, #tpu.memory_space<hbm>>, %arg5: memref<128xi32, #tpu.memory_space<vmem>>, %arg6: memref<8x8192xf32, #tpu.memory_space<vmem>>, %arg7: memref<!tpu.dma_semaphore, #tpu.memory_space<semaphore_mem>>) attributes {dimension_semantics = [#tpu.dimension_semantics<core_parallel>, #tpu.dimension_semantics<subcore_parallel>], iteration_bounds = array<i64: 2, 16>, scalar_prefetch = 0 : i64, scratch_operands = 3 : i64, tpu.core_type = #tpu.core_type<sc_vector_subcore>, window_params = [{transform_indices = #map}, {transform_indices = #map1}, {transform_indices = #map1}]} {
    %mul3A = arith.constant 2 : i32
    %mul3A_0 = arith.muli %arg1, %mul3A : i32
    %add3A = arith.addi %mul3A_0, %arg0 : i32
    %mul3A_1 = arith.constant 128 : i32
    %mul3A_2 = arith.muli %add3A, %mul3A_1 : i32
    "tpu.region"() ({
      %run_scoped3A = tpu.sem_alloc : memref<!tpu.dma_semaphore, #tpu.memory_space<semaphore_mem>>
      %dma_start3A = arith.constant 0 : i32
      %dma_start3A_8 = tpu.memref_slice %arg5[%dma_start3A] : memref<128xi32, #tpu.memory_space<vmem>> -> memref<128xi32, #tpu.memory_space<vmem>>
      %dma_start3A_9 = tpu.memref_slice %arg2[%mul3A_2] : memref<4096xi32, #tpu.memory_space<hbm>> -> memref<128xi32, #tpu.memory_space<hbm>>
      %dma_start3A_10 = arith.constant 0 : i32
      %dma_start3A_11 = tpu.memref_slice %arg5[%dma_start3A_10] : memref<128xi32, #tpu.memory_space<vmem>> -> memref<128xi32, #tpu.memory_space<vmem>>
      %dma_start3A_12 = tpu.memref_slice %arg2[%mul3A_2] : memref<4096xi32, #tpu.memory_space<hbm>> -> memref<128xi32, #tpu.memory_space<hbm>>
      tpu.enqueue_dma source(%dma_start3A_12 : memref<128xi32, #tpu.memory_space<hbm>>) target(%dma_start3A_11 : memref<128xi32, #tpu.memory_space<vmem>>) target_semaphore(%run_scoped3A : memref<!tpu.dma_semaphore, #tpu.memory_space<semaphore_mem>>)
      %dma_wait3A = arith.constant 0 : i32
      %dma_wait3A_13 = tpu.memref_slice %arg5[%dma_wait3A] : memref<128xi32, #tpu.memory_space<vmem>> -> memref<128xi32, #tpu.memory_space<vmem>>
      %dma_wait3A_14 = tpu.memref_slice %arg2[%mul3A_2] : memref<4096xi32, #tpu.memory_space<hbm>> -> memref<128xi32, #tpu.memory_space<hbm>>
      %dma_wait3A_15 = arith.constant 0 : i32
      %dma_wait3A_16 = tpu.memref_slice %arg5[%dma_wait3A_15] : memref<128xi32, #tpu.memory_space<vmem>> -> memref<128xi32, #tpu.memory_space<vmem>>
      %dma_wait3A_17 = tpu.memref_slice %arg2[%mul3A_2] : memref<4096xi32, #tpu.memory_space<hbm>> -> memref<128xi32, #tpu.memory_space<hbm>>
      tpu.wait_dma2 semaphore(%run_scoped3A : memref<!tpu.dma_semaphore, #tpu.memory_space<semaphore_mem>>) src(%dma_wait3A_17 : memref<128xi32, #tpu.memory_space<hbm>>) dst(%dma_wait3A_16 : memref<128xi32, #tpu.memory_space<vmem>>)
      tpu.yield
    }) : () -> ()
    %scan3A = arith.constant 0 : i32
    %scan3A_3 = arith.constant 0 : i32
    %scan3A_4 = arith.constant 16 : i32
    %scan3A_5 = arith.addi %scan3A_3, %scan3A_4 : i32
    %scan3A_6 = arith.constant 1 : i32
    scf.for %scan3A_8 = %scan3A_3 to %scan3A_5 step %scan3A_6  : i32 {
      %mul3A_9 = arith.constant 8 : i32
      %mul3A_10 = arith.muli %scan3A_8, %mul3A_9 : i32
      %dma_start3A = tpu.memref_slice %arg5[%mul3A_10] : memref<128xi32, #tpu.memory_space<vmem>> -> memref<8xi32, #tpu.memory_space<vmem>>
      %dma_start3A_11 = arith.constant 0 : i32
      %dma_start3A_12 = arith.constant 0 : i32
      %dma_start3A_13 = tpu.memref_slice %arg3[%dma_start3A_11, %dma_start3A_12] : memref<1000x8192xf32, #tpu.memory_space<hbm>> -> memref<1000x8192xf32, #tpu.memory_space<hbm>>
      tpu.enqueue_indirect_dma source(%dma_start3A_13 : memref<1000x8192xf32, #tpu.memory_space<hbm>>) target(%arg6 : memref<8x8192xf32, #tpu.memory_space<vmem>>) offsets(%dma_start3A : memref<8xi32, #tpu.memory_space<vmem>>) semaphore(%arg7 : memref<!tpu.dma_semaphore, #tpu.memory_space<semaphore_mem>>)
      %dma_wait3A = tpu.memref_slice %arg5[%mul3A_10] : memref<128xi32, #tpu.memory_space<vmem>> -> memref<8xi32, #tpu.memory_space<vmem>>
      %dma_wait3A_14 = arith.constant 0 : i32
      %dma_wait3A_15 = arith.constant 0 : i32
      %dma_wait3A_16 = tpu.memref_slice %arg3[%dma_wait3A_14, %dma_wait3A_15] : memref<1000x8192xf32, #tpu.memory_space<hbm>> -> memref<1000x8192xf32, #tpu.memory_space<hbm>>
      tpu.wait_indirect_dma semaphore(%arg7 : memref<!tpu.dma_semaphore, #tpu.memory_space<semaphore_mem>>) src(%dma_wait3A_16 : memref<1000x8192xf32, #tpu.memory_space<hbm>>) dst(%arg6 : memref<8x8192xf32, #tpu.memory_space<vmem>>)
      %mul3A_17 = arith.constant 8 : i32
      %mul3A_18 = arith.muli %scan3A_8, %mul3A_17 : i32
      %add3A_19 = arith.addi %mul3A_2, %mul3A_18 : i32
      "tpu.region"() ({
        %run_scoped3A = tpu.sem_alloc : memref<!tpu.dma_semaphore, #tpu.memory_space<semaphore_mem>>
        %dma_start3A_20 = arith.constant 0 : i32
        %dma_start3A_21 = arith.constant 0 : i32
        %dma_start3A_22 = tpu.memref_slice %arg6[%dma_start3A_20, %dma_start3A_21] : memref<8x8192xf32, #tpu.memory_space<vmem>> -> memref<8x8192xf32, #tpu.memory_space<vmem>>
        %dma_start3A_23 = arith.constant 0 : i32
        %dma_start3A_24 = tpu.memref_slice %arg4[%add3A_19, %dma_start3A_23] : memref<4096x8192xf32, #tpu.memory_space<hbm>> -> memref<8x8192xf32, #tpu.memory_space<hbm>>
        %dma_start3A_25 = arith.constant 0 : i32
        %dma_start3A_26 = tpu.memref_slice %arg4[%add3A_19, %dma_start3A_25] : memref<4096x8192xf32, #tpu.memory_space<hbm>> -> memref<8x8192xf32, #tpu.memory_space<hbm>>
        %dma_start3A_27 = arith.constant 0 : i32
        %dma_start3A_28 = arith.constant 0 : i32
        %dma_start3A_29 = tpu.memref_slice %arg6[%dma_start3A_27, %dma_start3A_28] : memref<8x8192xf32, #tpu.memory_space<vmem>> -> memref<8x8192xf32, #tpu.memory_space<vmem>>
        tpu.enqueue_dma source(%dma_start3A_29 : memref<8x8192xf32, #tpu.memory_space<vmem>>) target(%dma_start3A_26 : memref<8x8192xf32, #tpu.memory_space<hbm>>) target_semaphore(%run_scoped3A : memref<!tpu.dma_semaphore, #tpu.memory_space<semaphore_mem>>)
        %dma_wait3A_30 = arith.constant 0 : i32
        %dma_wait3A_31 = arith.constant 0 : i32
        %dma_wait3A_32 = tpu.memref_slice %arg6[%dma_wait3A_30, %dma_wait3A_31] : memref<8x8192xf32, #tpu.memory_space<vmem>> -> memref<8x8192xf32, #tpu.memory_space<vmem>>
        %dma_wait3A_33 = arith.constant 0 : i32
        %dma_wait3A_34 = tpu.memref_slice %arg4[%add3A_19, %dma_wait3A_33] : memref<4096x8192xf32, #tpu.memory_space<hbm>> -> memref<8x8192xf32, #tpu.memory_space<hbm>>
        %dma_wait3A_35 = arith.constant 0 : i32
        %dma_wait3A_36 = tpu.memref_slice %arg4[%add3A_19, %dma_wait3A_35] : memref<4096x8192xf32, #tpu.memory_space<hbm>> -> memref<8x8192xf32, #tpu.memory_space<hbm>>
        %dma_wait3A_37 = arith.constant 0 : i32
        %dma_wait3A_38 = arith.constant 0 : i32
        %dma_wait3A_39 = tpu.memref_slice %arg6[%dma_wait3A_37, %dma_wait3A_38] : memref<8x8192xf32, #tpu.memory_space<vmem>> -> memref<8x8192xf32, #tpu.memory_space<vmem>>
        tpu.wait_dma2 semaphore(%run_scoped3A : memref<!tpu.dma_semaphore, #tpu.memory_space<semaphore_mem>>) src(%dma_wait3A_39 : memref<8x8192xf32, #tpu.memory_space<vmem>>) dst(%dma_wait3A_36 : memref<8x8192xf32, #tpu.memory_space<hbm>>)
        tpu.yield
      }) : () -> ()
    }
    %scan3A_7 = arith.constant 16 : i32
    return
  }
}

module attributes {stable_mosaic.version = 14 : i64} {
  func.func @_tc_head(%arg0: i32, %arg1: memref<77x4096x512xf32, #tpu.memory_space<any>>, %arg2: memref<128x1x512xf32, #tpu.memory_space<vmem>>, %arg3: memref<128x8192xf32, #tpu.memory_space<vmem>>, %arg4: memref<17x128x512xf32, #tpu.memory_space<vmem>>) attributes {dimension_semantics = [#tpu.dimension_semantics<arbitrary>], iteration_bounds = array<i64: 32>, scalar_prefetch = 0 : i64, scratch_operands = 0 : i64, tpu.core_type = #tpu.core_type<tc>, window_params = [{}, {transform_indices = @transform_1, window_bounds = array<i64: 128, 1, 512>}, {transform_indices = @transform_2, window_bounds = array<i64: 128, 8192>}, {transform_indices = @transform_3, window_bounds = array<i64: 17, 128, 512>}]} {
    %get3A = arith.constant 0 : index
    %get3A_0 = arith.constant 0 : index
    %get3A_1 = arith.constant 0 : index
    %get3A_2 = vector.load %arg2[%get3A, %get3A_0, %get3A_1] : memref<128x1x512xf32, #tpu.memory_space<vmem>>, vector<128x1x512xf32>
    %get3A_3 = vector.shape_cast %get3A_2 : vector<128x1x512xf32> to vector<128x512xf32>
    %swap3A = arith.constant 0 : index
    %swap3A_4 = arith.constant 0 : index
    %swap3A_5 = arith.constant 0 : index
    %swap3A_6 = vector.load %arg4[%swap3A, %swap3A_4, %swap3A_5] : memref<17x128x512xf32, #tpu.memory_space<vmem>>, vector<1x128x512xf32>
    %swap3A_7 = vector.shape_cast %swap3A_6 : vector<1x128x512xf32> to vector<128x512xf32>
    %swap3A_8 = vector.shape_cast %get3A_3 : vector<128x512xf32> to vector<1x128x512xf32>
    tpu.vector_store %arg4[%swap3A, %swap3A_4, %swap3A_5], %swap3A_8 {strides = array<i32>} : memref<17x128x512xf32, #tpu.memory_space<vmem>>, vector<1x128x512xf32>,
    %get3A_9 = arith.constant 0 : index
    %get3A_10 = arith.constant 0 : index
    %get3A_11 = vector.load %arg3[%get3A_9, %get3A_10] : memref<128x8192xf32, #tpu.memory_space<vmem>>, vector<128x512xf32>
    %swap3A_12 = arith.constant 1 : index
    %swap3A_13 = arith.constant 0 : index
    %swap3A_14 = arith.constant 0 : index
    %swap3A_15 = vector.load %arg4[%swap3A_12, %swap3A_13, %swap3A_14] : memref<17x128x512xf32, #tpu.memory_space<vmem>>, vector<1x128x512xf32>
    %swap3A_16 = vector.shape_cast %swap3A_15 : vector<1x128x512xf32> to vector<128x512xf32>
    %swap3A_17 = vector.shape_cast %get3A_11 : vector<128x512xf32> to vector<1x128x512xf32>
    tpu.vector_store %arg4[%swap3A_12, %swap3A_13, %swap3A_14], %swap3A_17 {strides = array<i32>} : memref<17x128x512xf32, #tpu.memory_space<vmem>>, vector<1x128x512xf32>,
    %get3A_18 = arith.constant 0 : index
    %get3A_19 = arith.constant 512 : index
    %get3A_20 = vector.load %arg3[%get3A_18, %get3A_19] : memref<128x8192xf32, #tpu.memory_space<vmem>>, vector<128x512xf32>
    %swap3A_21 = arith.constant 2 : index
    %swap3A_22 = arith.constant 0 : index
    %swap3A_23 = arith.constant 0 : index
    %swap3A_24 = vector.load %arg4[%swap3A_21, %swap3A_22, %swap3A_23] : memref<17x128x512xf32, #tpu.memory_space<vmem>>, vector<1x128x512xf32>
    %swap3A_25 = vector.shape_cast %swap3A_24 : vector<1x128x512xf32> to vector<128x512xf32>
    %swap3A_26 = vector.shape_cast %get3A_20 : vector<128x512xf32> to vector<1x128x512xf32>
    tpu.vector_store %arg4[%swap3A_21, %swap3A_22, %swap3A_23], %swap3A_26 {strides = array<i32>} : memref<17x128x512xf32, #tpu.memory_space<vmem>>, vector<1x128x512xf32>,
    %get3A_27 = arith.constant 0 : index
    %get3A_28 = arith.constant 1024 : index
    %get3A_29 = vector.load %arg3[%get3A_27, %get3A_28] : memref<128x8192xf32, #tpu.memory_space<vmem>>, vector<128x512xf32>
    %swap3A_30 = arith.constant 3 : index
    %swap3A_31 = arith.constant 0 : index
    %swap3A_32 = arith.constant 0 : index
    %swap3A_33 = vector.load %arg4[%swap3A_30, %swap3A_31, %swap3A_32] : memref<17x128x512xf32, #tpu.memory_space<vmem>>, vector<1x128x512xf32>
    %swap3A_34 = vector.shape_cast %swap3A_33 : vector<1x128x512xf32> to vector<128x512xf32>
    %swap3A_35 = vector.shape_cast %get3A_29 : vector<128x512xf32> to vector<1x128x512xf32>
    tpu.vector_store %arg4[%swap3A_30, %swap3A_31, %swap3A_32], %swap3A_35 {strides = array<i32>} : memref<17x128x512xf32, #tpu.memory_space<vmem>>, vector<1x128x512xf32>,
    %get3A_36 = arith.constant 0 : index
    %get3A_37 = arith.constant 1536 : index
    %get3A_38 = vector.load %arg3[%get3A_36, %get3A_37] : memref<128x8192xf32, #tpu.memory_space<vmem>>, vector<128x512xf32>
    %swap3A_39 = arith.constant 4 : index
    %swap3A_40 = arith.constant 0 : index
    %swap3A_41 = arith.constant 0 : index
    %swap3A_42 = vector.load %arg4[%swap3A_39, %swap3A_40, %swap3A_41] : memref<17x128x512xf32, #tpu.memory_space<vmem>>, vector<1x128x512xf32>
    %swap3A_43 = vector.shape_cast %swap3A_42 : vector<1x128x512xf32> to vector<128x512xf32>
    %swap3A_44 = vector.shape_cast %get3A_38 : vector<128x512xf32> to vector<1x128x512xf32>
    tpu.vector_store %arg4[%swap3A_39, %swap3A_40, %swap3A_41], %swap3A_44 {strides = array<i32>} : memref<17x128x512xf32, #tpu.memory_space<vmem>>, vector<1x128x512xf32>,
    %get3A_45 = arith.constant 0 : index
    %get3A_46 = arith.constant 2048 : index
    %get3A_47 = vector.load %arg3[%get3A_45, %get3A_46] : memref<128x8192xf32, #tpu.memory_space<vmem>>, vector<128x512xf32>
    %swap3A_48 = arith.constant 5 : index
    %swap3A_49 = arith.constant 0 : index
    %swap3A_50 = arith.constant 0 : index
    %swap3A_51 = vector.load %arg4[%swap3A_48, %swap3A_49, %swap3A_50] : memref<17x128x512xf32, #tpu.memory_space<vmem>>, vector<1x128x512xf32>
    %swap3A_52 = vector.shape_cast %swap3A_51 : vector<1x128x512xf32> to vector<128x512xf32>
    %swap3A_53 = vector.shape_cast %get3A_47 : vector<128x512xf32> to vector<1x128x512xf32>
    tpu.vector_store %arg4[%swap3A_48, %swap3A_49, %swap3A_50], %swap3A_53 {strides = array<i32>} : memref<17x128x512xf32, #tpu.memory_space<vmem>>, vector<1x128x512xf32>,
    %get3A_54 = arith.constant 0 : index
    %get3A_55 = arith.constant 2560 : index
    %get3A_56 = vector.load %arg3[%get3A_54, %get3A_55] : memref<128x8192xf32, #tpu.memory_space<vmem>>, vector<128x512xf32>
    %swap3A_57 = arith.constant 6 : index
    %swap3A_58 = arith.constant 0 : index
    %swap3A_59 = arith.constant 0 : index
    %swap3A_60 = vector.load %arg4[%swap3A_57, %swap3A_58, %swap3A_59] : memref<17x128x512xf32, #tpu.memory_space<vmem>>, vector<1x128x512xf32>
    %swap3A_61 = vector.shape_cast %swap3A_60 : vector<1x128x512xf32> to vector<128x512xf32>
    %swap3A_62 = vector.shape_cast %get3A_56 : vector<128x512xf32> to vector<1x128x512xf32>
    tpu.vector_store %arg4[%swap3A_57, %swap3A_58, %swap3A_59], %swap3A_62 {strides = array<i32>} : memref<17x128x512xf32, #tpu.memory_space<vmem>>, vector<1x128x512xf32>,
    %get3A_63 = arith.constant 0 : index
    %get3A_64 = arith.constant 3072 : index
    %get3A_65 = vector.load %arg3[%get3A_63, %get3A_64] : memref<128x8192xf32, #tpu.memory_space<vmem>>, vector<128x512xf32>
    %swap3A_66 = arith.constant 7 : index
    %swap3A_67 = arith.constant 0 : index
    %swap3A_68 = arith.constant 0 : index
    %swap3A_69 = vector.load %arg4[%swap3A_66, %swap3A_67, %swap3A_68] : memref<17x128x512xf32, #tpu.memory_space<vmem>>, vector<1x128x512xf32>
    %swap3A_70 = vector.shape_cast %swap3A_69 : vector<1x128x512xf32> to vector<128x512xf32>
    %swap3A_71 = vector.shape_cast %get3A_65 : vector<128x512xf32> to vector<1x128x512xf32>
    tpu.vector_store %arg4[%swap3A_66, %swap3A_67, %swap3A_68], %swap3A_71 {strides = array<i32>} : memref<17x128x512xf32, #tpu.memory_space<vmem>>, vector<1x128x512xf32>,
    %get3A_72 = arith.constant 0 : index
    %get3A_73 = arith.constant 3584 : index
    %get3A_74 = vector.load %arg3[%get3A_72, %get3A_73] : memref<128x8192xf32, #tpu.memory_space<vmem>>, vector<128x512xf32>
    %swap3A_75 = arith.constant 8 : index
    %swap3A_76 = arith.constant 0 : index
    %swap3A_77 = arith.constant 0 : index
    %swap3A_78 = vector.load %arg4[%swap3A_75, %swap3A_76, %swap3A_77] : memref<17x128x512xf32, #tpu.memory_space<vmem>>, vector<1x128x512xf32>
    %swap3A_79 = vector.shape_cast %swap3A_78 : vector<1x128x512xf32> to vector<128x512xf32>
    %swap3A_80 = vector.shape_cast %get3A_74 : vector<128x512xf32> to vector<1x128x512xf32>
    tpu.vector_store %arg4[%swap3A_75, %swap3A_76, %swap3A_77], %swap3A_80 {strides = array<i32>} : memref<17x128x512xf32, #tpu.memory_space<vmem>>, vector<1x128x512xf32>,
    %get3A_81 = arith.constant 0 : index
    %get3A_82 = arith.constant 4096 : index
    %get3A_83 = vector.load %arg3[%get3A_81, %get3A_82] : memref<128x8192xf32, #tpu.memory_space<vmem>>, vector<128x512xf32>
    %swap3A_84 = arith.constant 9 : index
    %swap3A_85 = arith.constant 0 : index
    %swap3A_86 = arith.constant 0 : index
    %swap3A_87 = vector.load %arg4[%swap3A_84, %swap3A_85, %swap3A_86] : memref<17x128x512xf32, #tpu.memory_space<vmem>>, vector<1x128x512xf32>
    %swap3A_88 = vector.shape_cast %swap3A_87 : vector<1x128x512xf32> to vector<128x512xf32>
    %swap3A_89 = vector.shape_cast %get3A_83 : vector<128x512xf32> to vector<1x128x512xf32>
    tpu.vector_store %arg4[%swap3A_84, %swap3A_85, %swap3A_86], %swap3A_89 {strides = array<i32>} : memref<17x128x512xf32, #tpu.memory_space<vmem>>, vector<1x128x512xf32>,
    %get3A_90 = arith.constant 0 : index
    %get3A_91 = arith.constant 4608 : index
    %get3A_92 = vector.load %arg3[%get3A_90, %get3A_91] : memref<128x8192xf32, #tpu.memory_space<vmem>>, vector<128x512xf32>
    %swap3A_93 = arith.constant 10 : index
    %swap3A_94 = arith.constant 0 : index
    %swap3A_95 = arith.constant 0 : index
    %swap3A_96 = vector.load %arg4[%swap3A_93, %swap3A_94, %swap3A_95] : memref<17x128x512xf32, #tpu.memory_space<vmem>>, vector<1x128x512xf32>
    %swap3A_97 = vector.shape_cast %swap3A_96 : vector<1x128x512xf32> to vector<128x512xf32>
    %swap3A_98 = vector.shape_cast %get3A_92 : vector<128x512xf32> to vector<1x128x512xf32>
    tpu.vector_store %arg4[%swap3A_93, %swap3A_94, %swap3A_95], %swap3A_98 {strides = array<i32>} : memref<17x128x512xf32, #tpu.memory_space<vmem>>, vector<1x128x512xf32>,
    %get3A_99 = arith.constant 0 : index
    %get3A_100 = arith.constant 5120 : index
    %get3A_101 = vector.load %arg3[%get3A_99, %get3A_100] : memref<128x8192xf32, #tpu.memory_space<vmem>>, vector<128x512xf32>
    %swap3A_102 = arith.constant 11 : index
    %swap3A_103 = arith.constant 0 : index
    %swap3A_104 = arith.constant 0 : index
    %swap3A_105 = vector.load %arg4[%swap3A_102, %swap3A_103, %swap3A_104] : memref<17x128x512xf32, #tpu.memory_space<vmem>>, vector<1x128x512xf32>
    %swap3A_106 = vector.shape_cast %swap3A_105 : vector<1x128x512xf32> to vector<128x512xf32>
    %swap3A_107 = vector.shape_cast %get3A_101 : vector<128x512xf32> to vector<1x128x512xf32>
    tpu.vector_store %arg4[%swap3A_102, %swap3A_103, %swap3A_104], %swap3A_107 {strides = array<i32>} : memref<17x128x512xf32, #tpu.memory_space<vmem>>, vector<1x128x512xf32>,
    %get3A_108 = arith.constant 0 : index
    %get3A_109 = arith.constant 5632 : index
    %get3A_110 = vector.load %arg3[%get3A_108, %get3A_109] : memref<128x8192xf32, #tpu.memory_space<vmem>>, vector<128x512xf32>
    %swap3A_111 = arith.constant 12 : index
    %swap3A_112 = arith.constant 0 : index
    %swap3A_113 = arith.constant 0 : index
    %swap3A_114 = vector.load %arg4[%swap3A_111, %swap3A_112, %swap3A_113] : memref<17x128x512xf32, #tpu.memory_space<vmem>>, vector<1x128x512xf32>
    %swap3A_115 = vector.shape_cast %swap3A_114 : vector<1x128x512xf32> to vector<128x512xf32>
    %swap3A_116 = vector.shape_cast %get3A_110 : vector<128x512xf32> to vector<1x128x512xf32>
    tpu.vector_store %arg4[%swap3A_111, %swap3A_112, %swap3A_113], %swap3A_116 {strides = array<i32>} : memref<17x128x512xf32, #tpu.memory_space<vmem>>, vector<1x128x512xf32>,
    %get3A_117 = arith.constant 0 : index
    %get3A_118 = arith.constant 6144 : index
    %get3A_119 = vector.load %arg3[%get3A_117, %get3A_118] : memref<128x8192xf32, #tpu.memory_space<vmem>>, vector<128x512xf32>
    %swap3A_120 = arith.constant 13 : index
    %swap3A_121 = arith.constant 0 : index
    %swap3A_122 = arith.constant 0 : index
    %swap3A_123 = vector.load %arg4[%swap3A_120, %swap3A_121, %swap3A_122] : memref<17x128x512xf32, #tpu.memory_space<vmem>>, vector<1x128x512xf32>
    %swap3A_124 = vector.shape_cast %swap3A_123 : vector<1x128x512xf32> to vector<128x512xf32>
    %swap3A_125 = vector.shape_cast %get3A_119 : vector<128x512xf32> to vector<1x128x512xf32>
    tpu.vector_store %arg4[%swap3A_120, %swap3A_121, %swap3A_122], %swap3A_125 {strides = array<i32>} : memref<17x128x512xf32, #tpu.memory_space<vmem>>, vector<1x128x512xf32>,
    %get3A_126 = arith.constant 0 : index
    %get3A_127 = arith.constant 6656 : index
    %get3A_128 = vector.load %arg3[%get3A_126, %get3A_127] : memref<128x8192xf32, #tpu.memory_space<vmem>>, vector<128x512xf32>
    %swap3A_129 = arith.constant 14 : index
    %swap3A_130 = arith.constant 0 : index
    %swap3A_131 = arith.constant 0 : index
    %swap3A_132 = vector.load %arg4[%swap3A_129, %swap3A_130, %swap3A_131] : memref<17x128x512xf32, #tpu.memory_space<vmem>>, vector<1x128x512xf32>
    %swap3A_133 = vector.shape_cast %swap3A_132 : vector<1x128x512xf32> to vector<128x512xf32>
    %swap3A_134 = vector.shape_cast %get3A_128 : vector<128x512xf32> to vector<1x128x512xf32>
    tpu.vector_store %arg4[%swap3A_129, %swap3A_130, %swap3A_131], %swap3A_134 {strides = array<i32>} : memref<17x128x512xf32, #tpu.memory_space<vmem>>, vector<1x128x512xf32>,
    %get3A_135 = arith.constant 0 : index
    %get3A_136 = arith.constant 7168 : index
    %get3A_137 = vector.load %arg3[%get3A_135, %get3A_136] : memref<128x8192xf32, #tpu.memory_space<vmem>>, vector<128x512xf32>
    %swap3A_138 = arith.constant 15 : index
    %swap3A_139 = arith.constant 0 : index
    %swap3A_140 = arith.constant 0 : index
    %swap3A_141 = vector.load %arg4[%swap3A_138, %swap3A_139, %swap3A_140] : memref<17x128x512xf32, #tpu.memory_space<vmem>>, vector<1x128x512xf32>
    %swap3A_142 = vector.shape_cast %swap3A_141 : vector<1x128x512xf32> to vector<128x512xf32>
    %swap3A_143 = vector.shape_cast %get3A_137 : vector<128x512xf32> to vector<1x128x512xf32>
    tpu.vector_store %arg4[%swap3A_138, %swap3A_139, %swap3A_140], %swap3A_143 {strides = array<i32>} : memref<17x128x512xf32, #tpu.memory_space<vmem>>, vector<1x128x512xf32>,
    %get3A_144 = arith.constant 0 : index
    %get3A_145 = arith.constant 7680 : index
    %get3A_146 = vector.load %arg3[%get3A_144, %get3A_145] : memref<128x8192xf32, #tpu.memory_space<vmem>>, vector<128x512xf32>
    %swap3A_147 = arith.constant 16 : index
    %swap3A_148 = arith.constant 0 : index
    %swap3A_149 = arith.constant 0 : index
    %swap3A_150 = vector.load %arg4[%swap3A_147, %swap3A_148, %swap3A_149] : memref<17x128x512xf32, #tpu.memory_space<vmem>>, vector<1x128x512xf32>
    %swap3A_151 = vector.shape_cast %swap3A_150 : vector<1x128x512xf32> to vector<128x512xf32>
    %swap3A_152 = vector.shape_cast %get3A_146 : vector<128x512xf32> to vector<1x128x512xf32>
    tpu.vector_store %arg4[%swap3A_147, %swap3A_148, %swap3A_149], %swap3A_152 {strides = array<i32>} : memref<17x128x512xf32, #tpu.memory_space<vmem>>, vector<1x128x512xf32>,
    return
  }
  func.func @transform_1(%arg0: i32) -> (i32, i32, i32) {
    %c0_i32 = arith.constant 0 : i32
    %c0_i32_0 = arith.constant 0 : i32
    %c0_i32_1 = arith.constant 0 : i32
    return %arg0, %c0_i32, %c0_i32_0 : i32, i32, i32
  }
  func.func @transform_2(%arg0: i32) -> (i32, i32) {
    %c0_i32 = arith.constant 0 : i32
    %c0_i32_0 = arith.constant 0 : i32
    return %arg0, %c0_i32 : i32, i32
  }
  func.func @transform_3(%arg0: i32) -> (i32, i32, i32) {
    %c0_i32 = arith.constant 0 : i32
    %c0_i32_0 = arith.constant 0 : i32
    %c0_i32_1 = arith.constant 0 : i32
    return %c0_i32, %arg0, %c0_i32_0 : i32, i32, i32
  }
}

module attributes {stable_mosaic.version = 14 : i64} {
  func.func @_tc_suffix(%arg0: i32, %arg1: memref<1x4096x512xf32, #tpu.memory_space<vmem>>, %arg2: memref<1x4096x512xf32, #tpu.memory_space<vmem>>) attributes {dimension_semantics = [#tpu.dimension_semantics<arbitrary>], iteration_bounds = array<i64: 60>, scalar_prefetch = 0 : i64, scratch_operands = 0 : i64, tpu.core_type = #tpu.core_type<tc>, window_params = [{transform_indices = @transform_0, window_bounds = array<i64: 1, 4096, 512>}, {transform_indices = @transform_1, window_bounds = array<i64: 1, 4096, 512>}]} {
    %get3A = arith.constant 0 : index
    %get3A_0 = arith.constant 0 : index
    %get3A_1 = arith.constant 0 : index
    %get3A_2 = vector.load %arg1[%get3A, %get3A_0, %get3A_1] : memref<1x4096x512xf32, #tpu.memory_space<vmem>>, vector<1x4096x512xf32>
    %swap3A = arith.constant 0 : index
    %swap3A_3 = arith.constant 0 : index
    %swap3A_4 = arith.constant 0 : index
    %swap3A_5 = vector.load %arg2[%swap3A, %swap3A_3, %swap3A_4] : memref<1x4096x512xf32, #tpu.memory_space<vmem>>, vector<1x4096x512xf32>
    tpu.vector_store %arg2[%swap3A, %swap3A_3, %swap3A_4], %get3A_2 {strides = array<i32>} : memref<1x4096x512xf32, #tpu.memory_space<vmem>>, vector<1x4096x512xf32>,
    return
  }
  func.func @transform_0(%arg0: i32) -> (i32, i32, i32) {
    %c0_i32 = arith.constant 0 : i32
    %c0_i32_0 = arith.constant 0 : i32
    %c0_i32_1 = arith.constant 0 : i32
    return %arg0, %c0_i32, %c0_i32_0 : i32, i32, i32
  }
  func.func @transform_1(%arg0: i32) -> (i32, i32, i32) {
    %add3A = arith.constant 17 : i32
    %add3A_0 = arith.addi %add3A, %arg0 : i32
    %c0_i32 = arith.constant 0 : i32
    %c0_i32_1 = arith.constant 0 : i32
    %c0_i32_2 = arith.constant 0 : i32
    return %add3A_0, %c0_i32, %c0_i32_1 : i32, i32, i32
  }
}

</mosaic_0001>

<sc_bundles>
// kernel: kernel.5.cloned.1.call-start
scs
__scs_entry_jumppad:
0x0: {  	(pc) =	sbr.rel $0x88, $3  }
0x1: {  	(tag) =	ssettag $0x0;
	lr =	simm.s32 $0x1  }
0x2: {  	[smem:$0x3F9D] =	sst lr;
	_ =	strace $0xD0000000  }
0x3: {  	_ = 	snop  }
0x4: {  	_ = 	snop  }
0x5: {  	_ = 	snop  }
0x6: {  	_ = 	snop  }
0x7: {  	_ = 	snop  }
__scs_overlays_trampoline_lowered:
0x8: {  	[smem:$0x3FAC] =	sst s0  }
0x9: {  	[smem:$0x3FAD] =	sst s1  }
0xa: {  	[smem:$0x3FAE] =	sst s2  }
0xb: {  	[smem:$0x3FAF] =	sst s3  }
0xc: {  	[smem:$0x3FB0] =	sst s4  }
0xd: {  	[smem:$0x3FB1] =	sst s5  }
0xe: {  	[smem:$0x3FB2] =	sst s6  }
0xf: {  	[smem:$0x3FB3] =	sst s7  }
0x10: {  	[smem:$0x3FB4] =	sst s8  }
0x11: {  	[smem:$0x3FB5] =	sst s9;
	s0 =	simm.s32 @!p0 $0x0  }
0x12: {  	s1 =	sld [smem:$0x3F9B];
	s0 =	simm.s32 @p0 $0x1  }
0x13: {  	[smem:$0x3FB6] =	sst s0;
	s0 =	simm.s32 @!p1 $0x0  }
0x14: {  	s2 =	sld [smem:$0x3F9A];
	s0 =	simm.s32 @p1 $0x1  }
0x15: {  	[smem:$0x3FB7] =	sst s0;
	s0 =	simm.s32 @!p2 $0x0  }
0x16: {  	s3 =	sld [smem:$0x3FDB];
	s0 =	simm.s32 @p2 $0x1  }
0x17: {  	s4 =	simm.s32 $0x1BF5;
	[smem:$0x3FB9] =	sst s0  }
0x18: {  	s0 =	sld [smem:$0x3F9C];
	_ =	swait.ge [sflag:s4], $0x0  }
0x19: {  	s7 =	sld [smem:$0x3F9D]  }
0x1a: {  	s8 =	sadd.s32 $0xFFFFE003, lr  }
0x1b: {  	s9 =	sadd.s32 $0xFFFFFEF7, lr;
	s5 =	simm.s32 $0xFFFFFFFF;
	p2 =	slt.u32 s8, $0xFFFFF086  }
0x1c: {  	p1 =	slt.u32 s9, $0xF7A;
	s5 =	simm.s32 @!p2 $0x0  }
0x1d: {  	s5 =	simm.s32 @p1 $0x1;
	p0 =	seq.s32 s7, s2  }
0x1e: {  	s7 =	smul.u32 @!p0 $0xF7A, s2;
	p2 =	seq.s32 @!p0 s5, $0x0  }
0x1f: {  	s9 =	smul.u32 $0xF7A, s1;
	s8 =	simm.s32 @!p0 $0x1BF5;
	p2 =	por !p2, p0  }
0x20: {  	[sflag:s8] =	ssyncset.s32 @!p0 $0xFFFFF086;
	s6 =	sadd.s32 @!p0 s3, s7;
	s7 =	simm.s32 @!p0 $0x108  }
0x21: {  	s3 =	sadd.s32 s3, s9;
	s6 =	sadd.s32 @!p0 $0x88, s6;
	s7 =	simm.s32 @p2 $0x1082  }
0x22: {  	[simem:s7], [sflag:s8] =	dma.local @!p0 [hbm:s6], $0xF7A  }
0x23: {  	s9 =	sor.u32 $0xD0000000, s2;
	s6 =	simm.s32 $0x108;
	_ =	swait.ge @!p0 [sflag:s8], $0x0  }
0x24: {  	s3 =	sadd.s32 $0x88, s3;
	s6 =	simm.s32 @!p1 $0x1082;
	[sflag:s4] =	ssyncset.s32 $0xFFFFF086  }
0x25: {  	[simem:s6], [sflag:s4] =	dma.local [hbm:s3], $0xF7A  }
0x26: {  	[smem:$0x3F9D] =	sst s1;
	(tag) =	ssettag s2;
	_ =	strace s9  }
0x27: {  	s1 =	sld [smem:$0x3FAD]  }
0x28: {  	s2 =	sld [smem:$0x3FAE]  }
0x29: {  	s4 =	sld [smem:$0x3FB0]  }
0x2a: {  	p0 =	seq.s32 s5, $0x0;
	s5 =	sld [smem:$0x3FB1]  }
0x2b: {  	s6 =	sld [smem:$0x3FB2]  }
0x2c: {  	s7 =	sld [smem:$0x3FB3]  }
0x2d: {  	s3 =	simm.s32 $0x108;
	s8 =	sld [smem:$0x3FB4]  }
0x2e: {  	s3 =	simm.s32 @!p0 $0x1082;
	s9 =	sld [smem:$0x3FB5]  }
0x2f: {  	lr =	sadd.s32 s0, s3;
	s0 =	sld [smem:$0x3FAC]  }
0x30: {  	s3 =	sld [smem:$0x3FAF]  }
0x31: {  	[smem:$0x3FB8] =	sst s10  }
0x32: {  	s10 =	sld [smem:$0x3FB6];
	_ =	sdelay $0x3  }
0x33: {  	p0 =	seq.s32 s10, $0x1;
	s10 =	sld [smem:$0x3FB8];
	_ =	sdelay $0x3  }
0x34: {  	[smem:$0x3FB8] =	sst s10  }
0x35: {  	s10 =	sld [smem:$0x3FB7];
	_ =	sdelay $0x3  }
0x36: {  	p1 =	seq.s32 s10, $0x1;
	s10 =	sld [smem:$0x3FB8];
	_ =	sdelay $0x3  }
0x37: {  	[smem:$0x3FB8] =	sst s10  }
0x38: {  	s10 =	sld [smem:$0x3FB9]  }
0x39: {  	_ = 	snop;
	(pc) =	sbr.ind lr, $3  }
0x3a: {  	_ = 	snop  }
0x3b: {  	_ = 	snop  }
0x3c: {  	p2 =	seq.s32 s10, $0x1;
	s10 =	sld [smem:$0x3FB8]  }
0x3d: {  	_ =	shalt  }
0x3e: {  	_ =	shalt  }
0x3f: {  	_ =	shalt  }
0x40: {  	_ =	shalt  }
0x41: {  	_ =	shalt  }
0x42: {  	_ =	shalt  }
0x43: {  	_ =	shalt  }
0x44: {  	_ =	shalt  }
0x45: {  	_ =	shalt  }
0x46: {  	_ =	shalt  }
0x47: {  	_ =	shalt  }
0x48: {  	_ =	shalt  }
0x49: {  	_ =	shalt  }
0x4a: {  	_ =	shalt  }
0x4b: {  	_ =	shalt  }
0x4c: {  	_ =	shalt  }
0x4d: {  	_ =	shalt  }
0x4e: {  	_ =	shalt  }
0x4f: {  	_ =	shalt  }
0x50: {  	_ =	shalt  }
0x51: {  	_ =	shalt  }
0x52: {  	_ =	shalt  }
0x53: {  	_ =	shalt  }
0x54: {  	_ =	shalt  }
0x55: {  	_ =	shalt  }
0x56: {  	_ =	shalt  }
0x57: {  	_ =	shalt  }
0x58: {  	_ =	shalt  }
0x59: {  	_ =	shalt  }
0x5a: {  	_ =	shalt  }
0x5b: {  	_ =	shalt  }
0x5c: {  	_ =	shalt  }
0x5d: {  	_ =	shalt  }
0x5e: {  	_ =	shalt  }
0x5f: {  	_ =	shalt  }
0x60: {  	_ =	shalt  }
0x61: {  	_ =	shalt  }
0x62: {  	_ =	shalt  }
0x63: {  	_ =	shalt  }
0x64: {  	_ =	shalt  }
0x65: {  	_ =	shalt  }
0x66: {  	_ =	shalt  }
0x67: {  	_ =	shalt  }
0x68: {  	_ =	shalt  }
0x69: {  	_ =	shalt  }
0x6a: {  	_ =	shalt  }
0x6b: {  	_ =	shalt  }
0x6c: {  	_ =	shalt  }
0x6d: {  	_ =	shalt  }
0x6e: {  	_ =	shalt  }
0x6f: {  	_ =	shalt  }
0x70: {  	_ =	shalt  }
0x71: {  	_ =	shalt  }
0x72: {  	_ =	shalt  }
0x73: {  	_ =	shalt  }
0x74: {  	_ =	shalt  }
0x75: {  	_ =	shalt  }
0x76: {  	_ =	shalt  }
0x77: {  	_ =	shalt  }
0x78: {  	_ =	shalt  }
0x79: {  	_ =	shalt  }
0x7a: {  	_ =	shalt  }
0x7b: {  	_ =	shalt  }
0x7c: {  	_ =	shalt  }
0x7d: {  	_ =	shalt  }
0x7e: {  	_ =	shalt  }
0x7f: {  	_ =	shalt  }
0x80: {  	_ =	shalt  }
0x81: {  	_ =	shalt  }
0x82: {  	_ =	shalt  }
0x83: {  	_ =	shalt  }
0x84: {  	_ =	shalt  }
0x85: {  	_ =	shalt  }
0x86: {  	_ =	shalt  }
0x87: {  	_ =	shalt  }
.Lfunc_end0:
.L_simem_size_0:
called_computation_lowered:
.L_overlay_start_0:
0x88: {  	s2 =	sld [smem:$0x3FD9]  }
0x89: {  	s3 =	sld [smem:$0x3FFE];
	_ =	sdelay $0x1  }
0x8a: {  	s1 =	srdreg.scid  }
0x8b: {  	s0 =	sand.u32 $0x1, s1  }
0x8c: {  	s17 =	sshll.u32 s0, $0xA;
	s2 =	sadd.s32 s3, s2  }
0x8d: {  	s2 =	sadd.s32 s2, s17  }
0x8e: {  	[smem:$0x3FC4] =	sst s2  }
0x8f: {  	_ = 	snop  }
0x90: {  	s2 =	sld [smem:$0x3FC9];
	(tm) =	ssettm $0x1  }
0x91: {  	s18 =	sld [smem:$0x3FFB];
	_ =	sdelay $0x3  }
0x92: {  	_ =	strace s18  }
0x93: {  	s3 =	sld [smem:$0x3FFC];
	_ =	sdelay $0x3  }
0x94: {  	_ =	strace s3  }
0x95: {  	s3 =	sld [smem:$0x3FFD];
	_ =	sdelay $0x3  }
0x96: {  	_ =	strace s3  }
0x97: {  	_ =	strace $0x8FFFFFFF  }
0x98: {  	s19 =	sld [smem:$0x3FDB];
	_ =	sdelay $0x1  }
0x99: {  	s4 =	simm.s32 $_scs_section_size  }
0x9a: {  	s5 =	simm.s32 $_size__tile_overlayer_lowered;
	s6 =	simm.s32 $_tile_overlayer_lowered  }
0x9b: {  	s22 =	simm.s32 $0x1BFF;
	s21 =	sshll.u32 s6, $0x1;
	s3 =	sadd.s32 s4, s19  }
0x9c: {  	s7 =	simm.s32 $0x0;
	s20 =	sshll.u32 s5, $0x1;
	s5 =	sadd.s32 s21, s3  }
0x9d: {  	[timem:s7], [sflag:s22] =	dma.local [hbm:s5], s20  }
0x9e: {  	_ =	swait.ge [sflag:s22], s20  }
0x9f: {  	s4 =	ssub.s32 $0x0, s20;
	[sflag:s22] =	ssyncset.done $0x0  }
0xa0: {  	[sflag:s22] =	ssyncadd.s32 s4;
	_ =	sdelay $0x1  }
0xa1: {  	s23 =	simm.s32 $0x1B8B  }
0xa2: {  	_ =	swait.ge [sflag:s23], $0x1  }
0xa3: {  	[sflag:s23] =	ssyncset.done $0x0  }
0xa4: {  	s25 =	simm.s32 $0x1B8E;
	s24 =	sld [smem:$0x3FFE];
	[sflag:s23] =	ssyncadd.s32 $0xFFFFFFFF  }
0xa5: {  	s26 =	simm.s32 $execute0_lowered;
	[smem:$0x3FD2] =	sst s25  }
0xa6: {  	s5 =	sshll.u32 s26, $0x1;
	_ =	strace $0x80000046;
	[dreg:$0x1] =	wrdreg $0xFFFFFFFF  }
0xa7: {  	s28 =	simm.s32 $_size_execute0_lowered;
	s3 =	sadd.s32 s3, s5;
	[dreg:$0x0] =	wrdreg $0x0  }
0xa8: {  	s5 =	sshll.u32 s28, $0x1;
	[dreg:$0x2] =	wrdreg s3  }
0xa9: {  	[dreg:$0x3] =	wrdreg s5  }
0xaa: {  	[dreg:$0x4] =	wrdreg $0xC0  }
0xab: {  	_ =	task [dreg:s7], $0x5FFFF  }
0xac: {  	[dreg:$0x1] =	wrdreg $0xFFFFFFFF  }
0xad: {  	[dreg:$0x0] =	wrdreg $0x60  }
0xae: {  	[dreg:$0x2] =	wrdreg s2  }
0xaf: {  	[dreg:$0x3] =	wrdreg s24  }
0xb0: {  	[dreg:$0x4] =	wrdreg $0x9  }
0xb1: {  	_ =	task.clear_ibuf [dreg:s7], $0x5FFFF;
	_ =	strace $0x90000046  }
0xb2: {  	s29 =	simm.s32 $0x9;
	_ =	strace $0x80000048  }
0xb3: {  	_ =	swait.ge [sflag:s29], $0x1  }
0xb4: {  	[sflag:s29] =	ssyncadd.s32 $0xFFFFFFFF  }
0xb5: {  	_ =	strace $0x90000048  }
0xb6: {  	_ =	sfence  }
0xb7: {  	s30 =	sld [smem:$0x0];
	_ =	sdelay $0x2  }
0xb8: {  	s31 =	sshll.u32 s1, $0xD;
	s1 =	sshrl.u32 s1, $0x2  }
0xb9: {  	s3 =	sand.u32 $0x4000, s31;
	s1 =	sadd.s32 s1, s30  }
0xba: {  	s0 =	sor.u32 s3, s0;
	s1 =	sshll.u32 s1, $0x11  }
0xbb: {  	s0 =	sor.u32 s1, s0  }
0xbc: {  	s0 =	sadd.s32 $0x8F2B, s0  }
0xbd: {  	[sflag:s0] =	ssyncadd.remote.s32 $0x1  }
0xbe: {  	_ =	sfence.sel $0xFFFF  }
0xbf: {  	[dreg:$0x0] =	wrdreg $0xFFFFFFFF;
	(pc) =	sbr.abs _section_cstart, $3  }
0xc0: {  	[dreg:$0x1] =	wrdreg $0xFFFFFFFF  }
0xc1: {  	_ =	task.clear_ibuf [dreg:s7], $0x2FFFF;
	_ =	strace $0x9FFFFFFF  }
0xc2: {  	(tm) =	ssettm $0x7FFFFFFF  }
0xc3: {  	_ =	shalt  }
tec
execute0_lowered:
.L_overlay_start_1:
0x0: {  	(tag) =	ssettag $0x1  }
0x1: {  	s0 =	rddreg [dreg:$0x0]  }
0x2: {  	s2 =	rddreg [dreg:$0x1];
	s1 =	simm.s32 $0x0  }
0x3: {  	[smem:$0x7FF] =	sst s1;
	s3 =	sadd.s32 $0x600, s2  }
0x4: {  	s6 =	sadd.s32 $0x700, s2;
	_ =	strace $0x80000047;
	[dreg:$0x3] =	wrdreg s3  }
0x5: {  	s7 =	sadd.s32 $0x800, s2;
	[dreg:$0x4] =	wrdreg s6  }
0x6: {  	s8 =	sadd.s32 $0x900, s2;
	[dreg:$0x5] =	wrdreg s7  }
0x7: {  	s9 =	sadd.s32 $0xA00, s2;
	[dreg:$0x6] =	wrdreg s8  }
0x8: {  	s10 =	sadd.s32 $0xB00, s2;
	[dreg:$0x7] =	wrdreg s9  }
0x9: {  	s11 =	sadd.s32 $0xC00, s2;
	[dreg:$0x8] =	wrdreg s10  }
0xa: {  	s12 =	sadd.s32 $0xD00, s2;
	[dreg:$0x9] =	wrdreg s11  }
0xb: {  	s13 =	sadd.s32 $0xE00, s2;
	[dreg:$0xa] =	wrdreg s12  }
0xc: {  	s14 =	sadd.s32 $0xF00, s2;
	[dreg:$0xb] =	wrdreg s13  }
0xd: {  	s15 =	sadd.s32 $0x1000, s2;
	[dreg:$0xc] =	wrdreg s14  }
0xe: {  	s16 =	sadd.s32 $0x1100, s2;
	[dreg:$0xd] =	wrdreg s15  }
0xf: {  	s17 =	sadd.s32 $0x1200, s2;
	[dreg:$0xe] =	wrdreg s16  }
0x10: {  	s18 =	sadd.s32 $0x1300, s2;
	[dreg:$0xf] =	wrdreg s17  }
0x11: {  	s19 =	sadd.s32 $0x1400, s2;
	[dreg:$0x10] =	wrdreg s18  }
0x12: {  	s20 =	sadd.s32 $0x1500, s2;
	[dreg:$0x11] =	wrdreg s19  }
0x13: {  	s21 =	sadd.s32 $0x1600, s2;
	[dreg:$0x12] =	wrdreg s20  }
0x14: {  	s22 =	sadd.s32 $0x1700, s2;
	[dreg:$0x13] =	wrdreg s21  }
0x15: {  	s23 =	sadd.s32 $0x1800, s2;
	[dreg:$0x14] =	wrdreg s22  }
0x16: {  	s24 =	sadd.s32 $0x1900, s2;
	[dreg:$0x15] =	wrdreg s23  }
0x17: {  	s25 =	sadd.s32 $0x1A00, s2;
	[dreg:$0x16] =	wrdreg s24  }
0x18: {  	s26 =	sadd.s32 $0x1B00, s2;
	[dreg:$0x17] =	wrdreg s25  }
0x19: {  	s4 =	sadd.s32 $0x1C00, s2;
	[dreg:$0x18] =	wrdreg s26  }
0x1a: {  	s5 =	sadd.s32 $0x1D00, s2;
	[dreg:$0x19] =	wrdreg s4  }
0x1b: {  	[dreg:$0x1a] =	wrdreg s5;
	s6 =	sadd.s32 $0x1E00, s2  }
0x1c: {  	s7 =	sadd.s32 $0x1F00, s2;
	[dreg:$0x1b] =	wrdreg s6  }
0x1d: {  	s9 =	sadd.s32 $0x2000, s2;
	[dreg:$0x1c] =	wrdreg s7  }
0x1e: {  	s10 =	sadd.s32 $0x2100, s2;
	[dreg:$0x1d] =	wrdreg s9  }
0x1f: {  	s11 =	sadd.s32 $0x2200, s2;
	[dreg:$0x1e] =	wrdreg s10  }
0x20: {  	s12 =	sadd.s32 $0x2300, s2;
	[dreg:$0x1f] =	wrdreg s11  }
0x21: {  	s13 =	sadd.s32 $0x2400, s2;
	[smem:$0x7EF] =	sst s12  }
0x22: {  	s15 =	simm.s32 $0x880;
	[smem:$0x7F0] =	sst s13  }
0x23: {  	s17 =	simm.s32 $0x1080;
	[smem:$0x7F2] =	sst s15  }
0x24: {  	s28 =	simm.s32 $0xE880;
	s18 =	simm.s32 $0x1880;
	[smem:$0x7F3] =	sst s17  }
0x25: {  	s29 =	simm.s32 $0xF080;
	s19 =	simm.s32 $0x2080;
	[smem:$0x7F4] =	sst s18  }
0x26: {  	s30 =	simm.s32 $0xF880;
	s20 =	simm.s32 $0x2880;
	[smem:$0x7F6] =	sst s19  }
0x27: {  	s31 =	simm.s32 $0x1;
	s22 =	simm.s32 $0x3080;
	[smem:$0x7F8] =	sst s20  }
0x28: {  	s8 =	stileid.u32;
	s24 =	simm.s32 $0x3880;
	[smem:$0x7F9] =	sst s22  }
0x29: {  	s5 =	srdreg.scid;
	s25 =	simm.s32 $0x4080;
	[smem:$0x7FA] =	sst s24  }
0x2a: {  	s26 =	simm.s32 $0x4880;
	s4 =	sshll.u32 s8, $0x12;
	[smem:$0x7FC] =	sst s25  }
0x2b: {  	s5 =	sand.u32 $0x1, s5;
	s14 =	sshll.u32 s8, $0x8;
	[smem:$0x7FD] =	sst s26  }
0x2c: {  	s17 =	simm.s32 $0x9880;
	s18 =	simm.s32 $0xA080;
	s19 =	simm.s32 $0xA880  }
0x2d: {  	s20 =	simm.s32 $0xB080;
	s22 =	simm.s32 $0xC080;
	s24 =	simm.s32 $0xD080  }
0x2e: {  	s25 =	simm.s32 $0xD880;
	s26 =	simm.s32 $0xE080;
	s4 =	sadd.s32 s4, s2  }
0x2f: {  	s6 =	ssub.s32 $0x2, s5;
	s2 =	sadd.s32 $0x2500, s2;
	s16 =	sshll.u32 s5, $0x7  }
0x30: {  	s23 =	sshll.u32 s5, $0x11;
	s7 =	sshrl.u32 s6, $0x1;
	[smem:$0x7F1] =	sst s2  }
0x31: {  	s3 =	sor.u32 s16, s14;
	s2 =	sadd.s32 s23, s4;
	s23 =	simm.s32 $0xC880  }
0x32: {  	s6 =	ssub.s32 s6, s7;
	s3 =	sshrl.u32 s3, $0x3;
	s2 =	sadd.s32 $0xFA600, s2  }
0x33: {  	v0 =	vlaneseq.u32;
	s7 =	simm.s32 $0x80;
	s0 =	sadd.s32 s0, s3;
	[smem:$0x7FB] =	sst s2  }
0x34: {  	v1 =	vshrl.u32 v0, $0x3;
	s21 =	smax.u32 s6, $0x1;
	s6 =	simm.s32 $0x2;
	[smem:$0x7F5] =	sst s0  }
0x35: {  	vm0 =	vmmov $0xffff;
	v0 =	vand.u32 $0x7, v0;
	v1 =	vmul.u32 $0x8, v1;
	s2 =	simm.s32 $0x0;
	[smem:$0x7F7] =	sst s21;
	s21 =	simm.s32 $0xB880  }
.LBB2_1:
0x36: {  	s0 =	sld [smem:$0x7F5];
	_ =	sdelay $0x1  }
0x37: {  	[smem:$0x7EE] =	sst s2  }
0x38: {  	[tilespmem:s1], [sflag:$0x2] =	stream.linear.gather [hbm4b:s0+s1], $0x80, $0x38;
	[tilespmem:$0x10080] =	vst v63  }
0x39: {  	_ =	swait.ge [sflag:s6], $0x80  }
0x3a: {  	[sflag:s6] =	ssyncset.done $0x0  }
0x3b: {  	s11 =	simm.s32 $0x0;
	[sflag:s6] =	ssyncadd.s32 $0xFFFFFF80  }
0x3c: {  	v2 =	vld.msk [tilespmem:s11+$0x0], $0xff;
	_ =	sdelay $0x3  }
0x3d: {  	s12 =	sld [smem:$0x7F3]  }
0x3e: {  	s3 =	rddreg [dreg:$0x3];
	v3 =	vshll.u32 v2, $0x6  }
0x3f: {  	s4 =	sld [smem:$0x7F2];
	v2 =	vand.u32 $0x7, v2;
	v3 =	vand.u32 $0xFFFFFE00, v3  }
0x40: {  	s5 =	rddreg [dreg:$0x4];
	v2 =	vor.u32 v2, v3  }
0x41: {  	s13 =	rddreg [dreg:$0x5];
	v2 =	vperm.xlane v2, v0  }
0x42: {  	s14 =	sld [smem:$0x7F4]  }
0x43: {  	s15 =	rddreg [dreg:$0x6];
	v2 =	vadd.s32 v1, v2  }
0x44: {  	s16 =	sld [smem:$0x7F6]  }
0x45: {  	s0 =	rddreg [dreg:$0x7]  }
0x46: {  	s8 =	sld [smem:$0x7F8]  }
0x47: {  	s9 =	rddreg [dreg:$0x8]  }
0x48: {  	[tilespmem:s7], [sflag:$0x1] =	stream.indirect_vreg.gather [hbm4b:s3+s1], $0x80, v2, vm0, $0xb8;
	[tilespmem:$0x10080] =	vst v63  }
0x49: {  	s10 =	sld [smem:$0x7F9]  }
0x4a: {  	[tilespmem:s4], [sflag:$0x1] =	stream.indirect_vreg.gather [hbm4b:s5+s1], $0x80, v2, vm0, $0xb8;
	[tilespmem:$0x10080] =	vst v63  }
0x4b: {  	s11 =	rddreg [dreg:$0x9]  }
0x4c: {  	[tilespmem:s12], [sflag:$0x1] =	stream.indirect_vreg.gather [hbm4b:s13+s1], $0x80, v2, vm0, $0xb8;
	[tilespmem:$0x10080] =	vst v63  }
0x4d: {  	s4 =	rddreg [dreg:$0x12]  }
0x4e: {  	[tilespmem:s14], [sflag:$0x1] =	stream.indirect_vreg.gather [hbm4b:s15+s1], $0x80, v2, vm0, $0xb8;
	[tilespmem:$0x10080] =	vst v63  }
0x4f: {  	s12 =	sld [smem:$0x7FA]  }
0x50: {  	[tilespmem:s16], [sflag:$0x1] =	stream.indirect_vreg.gather [hbm4b:s0+s1], $0x80, v2, vm0, $0xb8;
	[tilespmem:$0x10080] =	vst v63  }
0x51: {  	s13 =	rddreg [dreg:$0xa]  }
0x52: {  	[tilespmem:s8], [sflag:$0x1] =	stream.indirect_vreg.gather [hbm4b:s9+s1], $0x80, v2, vm0, $0xb8;
	[tilespmem:$0x10080] =	vst v63  }
0x53: {  	s14 =	sld [smem:$0x7FC]  }
0x54: {  	[tilespmem:s10], [sflag:$0x1] =	stream.indirect_vreg.gather [hbm4b:s11+s1], $0x80, v2, vm0, $0xb8;
	[tilespmem:$0x10080] =	vst v63  }
0x55: {  	s15 =	rddreg [dreg:$0xb]  }
0x56: {  	[tilespmem:s12], [sflag:$0x1] =	stream.indirect_vreg.gather [hbm4b:s13+s1], $0x80, v2, vm0, $0xb8;
	[tilespmem:$0x10080] =	vst v63  }
0x57: {  	s16 =	sld [smem:$0x7FD]  }
0x58: {  	[tilespmem:s14], [sflag:$0x1] =	stream.indirect_vreg.gather [hbm4b:s15+s1], $0x80, v2, vm0, $0xb8;
	[tilespmem:$0x10080] =	vst v63  }
0x59: {  	s0 =	rddreg [dreg:$0xc]  }
0x5a: {  	[tilespmem:s16], [sflag:$0x1] =	stream.indirect_vreg.gather [hbm4b:s0+s1], $0x80, v2, vm0, $0xb8;
	[tilespmem:$0x10080] =	vst v63  }
0x5b: {  	s8 =	rddreg [dreg:$0xd];
	s10 =	simm.s32 $0x5080  }
0x5c: {  	[tilespmem:s10], [sflag:$0x1] =	stream.indirect_vreg.gather [hbm4b:s8+s1], $0x80, v2, vm0, $0xb8;
	[tilespmem:$0x10080] =	vst v63  }
0x5d: {  	s9 =	rddreg [dreg:$0xe];
	s12 =	simm.s32 $0x5880  }
0x5e: {  	[tilespmem:s12], [sflag:$0x1] =	stream.indirect_vreg.gather [hbm4b:s9+s1], $0x80, v2, vm0, $0xb8;
	[tilespmem:$0x10080] =	vst v63  }
0x5f: {  	s11 =	rddreg [dreg:$0xf];
	s14 =	simm.s32 $0x6080  }
0x60: {  	[tilespmem:s14], [sflag:$0x1] =	stream.indirect_vreg.gather [hbm4b:s11+s1], $0x80, v2, vm0, $0xb8;
	[tilespmem:$0x10080] =	vst v63  }
0x61: {  	s13 =	rddreg [dreg:$0x10];
	s16 =	simm.s32 $0x6880  }
0x62: {  	[tilespmem:s16], [sflag:$0x1] =	stream.indirect_vreg.gather [hbm4b:s13+s1], $0x80, v2, vm0, $0xb8;
	[tilespmem:$0x10080] =	vst v63  }
0x63: {  	s5 =	simm.s32 $0x7080;
	s15 =	rddreg [dreg:$0x11]  }
0x64: {  	[tilespmem:s5], [sflag:$0x1] =	stream.indirect_vreg.gather [hbm4b:s15+s1], $0x80, v2, vm0, $0xb8;
	[tilespmem:$0x10080] =	vst v63  }
0x65: {  	s0 =	rddreg [dreg:$0x18];
	s9 =	simm.s32 $0x7880  }
0x66: {  	[tilespmem:s9], [sflag:$0x1] =	stream.indirect_vreg.gather [hbm4b:s4+s1], $0x80, v2, vm0, $0xb8;
	[tilespmem:$0x10080] =	vst v63  }
0x67: {  	s8 =	rddreg [dreg:$0x13];
	s11 =	simm.s32 $0x8080  }
0x68: {  	[tilespmem:s11], [sflag:$0x1] =	stream.indirect_vreg.gather [hbm4b:s8+s1], $0x80, v2, vm0, $0xb8;
	[tilespmem:$0x10080] =	vst v63  }
0x69: {  	s10 =	rddreg [dreg:$0x14];
	s13 =	simm.s32 $0x8880  }
0x6a: {  	[tilespmem:s13], [sflag:$0x1] =	stream.indirect_vreg.gather [hbm4b:s10+s1], $0x80, v2, vm0, $0xb8;
	[tilespmem:$0x10080] =	vst v63  }
0x6b: {  	s12 =	rddreg [dreg:$0x15];
	s15 =	simm.s32 $0x9080  }
0x6c: {  	[tilespmem:s15], [sflag:$0x1] =	stream.indirect_vreg.gather [hbm4b:s12+s1], $0x80, v2, vm0, $0xb8;
	[tilespmem:$0x10080] =	vst v63  }
0x6d: {  	s14 =	rddreg [dreg:$0x16]  }
0x6e: {  	[tilespmem:s17], [sflag:$0x1] =	stream.indirect_vreg.gather [hbm4b:s14+s1], $0x80, v2, vm0, $0xb8;
	[tilespmem:$0x10080] =	vst v63  }
0x6f: {  	s16 =	rddreg [dreg:$0x17]  }
0x70: {  	[tilespmem:s18], [sflag:$0x1] =	stream.indirect_vreg.gather [hbm4b:s16+s1], $0x80, v2, vm0, $0xb8;
	[tilespmem:$0x10080] =	vst v63  }
0x71: {  	s5 =	rddreg [dreg:$0x1a]  }
0x72: {  	[tilespmem:s19], [sflag:$0x1] =	stream.indirect_vreg.gather [hbm4b:s0+s1], $0x80, v2, vm0, $0xb8;
	[tilespmem:$0x10080] =	vst v63  }
0x73: {  	s4 =	rddreg [dreg:$0x19]  }
0x74: {  	[tilespmem:s20], [sflag:$0x1] =	stream.indirect_vreg.gather [hbm4b:s4+s1], $0x80, v2, vm0, $0xb8;
	[tilespmem:$0x10080] =	vst v63  }
0x75: {  	s9 =	rddreg [dreg:$0x1c]  }
0x76: {  	[tilespmem:s21], [sflag:$0x1] =	stream.indirect_vreg.gather [hbm4b:s5+s1], $0x80, v2, vm0, $0xb8;
	[tilespmem:$0x10080] =	vst v63  }
0x77: {  	s8 =	rddreg [dreg:$0x1b]  }
0x78: {  	[tilespmem:s22], [sflag:$0x1] =	stream.indirect_vreg.gather [hbm4b:s8+s1], $0x80, v2, vm0, $0xb8;
	[tilespmem:$0x10080] =	vst v63  }
0x79: {  	s11 =	rddreg [dreg:$0x1e]  }
0x7a: {  	[tilespmem:s23], [sflag:$0x1] =	stream.indirect_vreg.gather [hbm4b:s9+s1], $0x80, v2, vm0, $0xb8;
	[tilespmem:$0x10080] =	vst v63  }
0x7b: {  	s10 =	rddreg [dreg:$0x1d]  }
0x7c: {  	[tilespmem:s24], [sflag:$0x1] =	stream.indirect_vreg.gather [hbm4b:s10+s1], $0x80, v2, vm0, $0xb8;
	[tilespmem:$0x10080] =	vst v63  }
0x7d: {  	s13 =	sld [smem:$0x7EF]  }
0x7e: {  	[tilespmem:s25], [sflag:$0x1] =	stream.indirect_vreg.gather [hbm4b:s11+s1], $0x80, v2, vm0, $0xb8;
	[tilespmem:$0x10080] =	vst v63  }
0x7f: {  	s12 =	rddreg [dreg:$0x1f]  }
0x80: {  	[tilespmem:s26], [sflag:$0x1] =	stream.indirect_vreg.gather [hbm4b:s12+s1], $0x80, v2, vm0, $0xb8;
	[tilespmem:$0x10080] =	vst v63  }
0x81: {  	s14 =	sld [smem:$0x7F0]  }
0x82: {  	[tilespmem:s28], [sflag:$0x1] =	stream.indirect_vreg.gather [hbm4b:s13+s1], $0x80, v2, vm0, $0xb8;
	[tilespmem:$0x10080] =	vst v63  }
0x83: {  	s15 =	sld [smem:$0x7F1]  }
0x84: {  	[tilespmem:s29], [sflag:$0x1] =	stream.indirect_vreg.gather [hbm4b:s14+s1], $0x80, v2, vm0, $0xb8;
	[tilespmem:$0x10080] =	vst v63  }
0x85: {  	_ = 	snop  }
0x86: {  	[tilespmem:s30], [sflag:$0x1] =	stream.indirect_vreg.gather [hbm4b:s15+s1], $0x80, v2, vm0, $0xb8;
	[tilespmem:$0x10080] =	vst v63  }
0x87: {  	_ =	swait.ge [sflag:s31], $0x10000  }
0x88: {  	s16 =	sld [smem:$0x7FB]  }
0x89: {  	[sflag:s31] =	ssyncset.done $0x0  }
0x8a: {  	[sflag:s31] =	ssyncadd.s32 $0xFFFF0000  }
0x8b: {  	[hbm4b:s16+s1] =	stream.linear.scatter [tilespmem:s7], [sflag:$0x2], $0x10000, $0x38;
	[tilespmem:$0x10080] =	vst v63  }
0x8c: {  	s3 =	simm.s32 $0x20;
	_ =	swait.ge [sflag:s6], $0x10000  }
0x8d: {  	s5 =	simm.s32 $0x40;
	s2 =	sadd.s32 $0x2000, s16;
	[sflag:s6] =	ssyncset.done $0x0  }
.LBB2_2:
0x8e: {  	s0 =	sshra.s32 s3, $0x2;
	[sflag:s6] =	ssyncadd.s32 $0xFFFF0000  }
0x8f: {  	v2 =	vld.msk [tilespmem:s0+$0x0], $0xff;
	_ =	sdelay $0x2  }
0x90: {  	s3 =	smov.u32 s5  }
0x91: {  	s4 =	sadd.s32 $0x20, s5;
	p0 =	sne.s32 s5, $0x1E0;
	s5 =	sld [smem:$0x7FD]  }
0x92: {  	s8 =	sld [smem:$0x7FA];
	v3 =	vshll.u32 v2, $0x6  }
0x93: {  	s9 =	sld [smem:$0x7F9];
	v2 =	vand.u32 $0x7, v2;
	v3 =	vand.u32 $0xFFFFFE00, v3  }
0x94: {  	s10 =	sld [smem:$0x7F8];
	v2 =	vor.u32 v2, v3  }
0x95: {  	s11 =	sld [smem:$0x7F6];
	v2 =	vperm.xlane v2, v0  }
0x96: {  	s12 =	sld [smem:$0x7F4]  }
0x97: {  	s13 =	sld [smem:$0x7F3];
	v2 =	vadd.s32 v1, v2  }
0x98: {  	s14 =	rddreg [dreg:$0x3]  }
0x99: {  	s15 =	sld [smem:$0x7F2]  }
0x9a: {  	s16 =	rddreg [dreg:$0x4]  }
0x9b: {  	s0 =	sld [smem:$0x7FC]  }
0x9c: {  	[tilespmem:s7], [sflag:$0x1] =	stream.indirect_vreg.gather [hbm4b:s14+s1], $0x80, v2, vm0, $0xb8;
	[tilespmem:$0x10080] =	vst v63  }
0x9d: {  	s14 =	rddreg [dreg:$0x5]  }
0x9e: {  	[tilespmem:s15], [sflag:$0x1] =	stream.indirect_vreg.gather [hbm4b:s16+s1], $0x80, v2, vm0, $0xb8;
	[tilespmem:$0x10080] =	vst v63  }
0x9f: {  	s16 =	rddreg [dreg:$0x6]  }
0xa0: {  	[tilespmem:s13], [sflag:$0x1] =	stream.indirect_vreg.gather [hbm4b:s14+s1], $0x80, v2, vm0, $0xb8;
	[tilespmem:$0x10080] =	vst v63  }
0xa1: {  	s15 =	rddreg [dreg:$0xa]  }
0xa2: {  	[tilespmem:s12], [sflag:$0x1] =	stream.indirect_vreg.gather [hbm4b:s16+s1], $0x80, v2, vm0, $0xb8;
	[tilespmem:$0x10080] =	vst v63  }
0xa3: {  	s14 =	rddreg [dreg:$0x7]  }
0xa4: {  	[tilespmem:s11], [sflag:$0x1] =	stream.indirect_vreg.gather [hbm4b:s14+s1], $0x80, v2, vm0, $0xb8;
	[tilespmem:$0x10080] =	vst v63  }
0xa5: {  	s16 =	rddreg [dreg:$0x8]  }
0xa6: {  	[tilespmem:s10], [sflag:$0x1] =	stream.indirect_vreg.gather [hbm4b:s16+s1], $0x80, v2, vm0, $0xb8;
	[tilespmem:$0x10080] =	vst v63  }
0xa7: {  	s14 =	rddreg [dreg:$0x9]  }
0xa8: {  	[tilespmem:s9], [sflag:$0x1] =	stream.indirect_vreg.gather [hbm4b:s14+s1], $0x80, v2, vm0, $0xb8;
	[tilespmem:$0x10080] =	vst v63  }
0xa9: {  	s12 =	rddreg [dreg:$0xe]  }
0xaa: {  	[tilespmem:s8], [sflag:$0x1] =	stream.indirect_vreg.gather [hbm4b:s15+s1], $0x80, v2, vm0, $0xb8;
	[tilespmem:$0x10080] =	vst v63  }
0xab: {  	s16 =	rddreg [dreg:$0xb]  }
0xac: {  	[tilespmem:s0], [sflag:$0x1] =	stream.indirect_vreg.gather [hbm4b:s16+s1], $0x80, v2, vm0, $0xb8;
	[tilespmem:$0x10080] =	vst v63  }
0xad: {  	s10 =	rddreg [dreg:$0xc]  }
0xae: {  	[tilespmem:s5], [sflag:$0x1] =	stream.indirect_vreg.gather [hbm4b:s10+s1], $0x80, v2, vm0, $0xb8;
	[tilespmem:$0x10080] =	vst v63  }
0xaf: {  	s13 =	simm.s32 $0x5080;
	s11 =	rddreg [dreg:$0xd]  }
0xb0: {  	[tilespmem:s13], [sflag:$0x1] =	stream.indirect_vreg.gather [hbm4b:s11+s1], $0x80, v2, vm0, $0xb8;
	[tilespmem:$0x10080] =	vst v63  }
0xb1: {  	s14 =	rddreg [dreg:$0xf];
	s15 =	simm.s32 $0x5880  }
0xb2: {  	[tilespmem:s15], [sflag:$0x1] =	stream.indirect_vreg.gather [hbm4b:s12+s1], $0x80, v2, vm0, $0xb8;
	[tilespmem:$0x10080] =	vst v63  }
0xb3: {  	s9 =	simm.s32 $0x6080;
	s8 =	rddreg [dreg:$0x1a]  }
0xb4: {  	[tilespmem:s9], [sflag:$0x1] =	stream.indirect_vreg.gather [hbm4b:s14+s1], $0x80, v2, vm0, $0xb8;
	[tilespmem:$0x10080] =	vst v63  }
0xb5: {  	s16 =	rddreg [dreg:$0x10];
	s11 =	simm.s32 $0x6880  }
0xb6: {  	[tilespmem:s11], [sflag:$0x1] =	stream.indirect_vreg.gather [hbm4b:s16+s1], $0x80, v2, vm0, $0xb8;
	[tilespmem:$0x10080] =	vst v63  }
0xb7: {  	s10 =	rddreg [dreg:$0x11];
	s13 =	simm.s32 $0x7080  }
0xb8: {  	[tilespmem:s13], [sflag:$0x1] =	stream.indirect_vreg.gather [hbm4b:s10+s1], $0x80, v2, vm0, $0xb8;
	[tilespmem:$0x10080] =	vst v63  }
0xb9: {  	s12 =	rddreg [dreg:$0x12];
	s15 =	simm.s32 $0x7880  }
0xba: {  	[tilespmem:s15], [sflag:$0x1] =	stream.indirect_vreg.gather [hbm4b:s12+s1], $0x80, v2, vm0, $0xb8;
	[tilespmem:$0x10080] =	vst v63  }
0xbb: {  	s14 =	rddreg [dreg:$0x13];
	s9 =	simm.s32 $0x8080  }
0xbc: {  	[tilespmem:s9], [sflag:$0x1] =	stream.indirect_vreg.gather [hbm4b:s14+s1], $0x80, v2, vm0, $0xb8;
	[tilespmem:$0x10080] =	vst v63  }
0xbd: {  	s16 =	rddreg [dreg:$0x14];
	s11 =	simm.s32 $0x8880  }
0xbe: {  	[tilespmem:s11], [sflag:$0x1] =	stream.indirect_vreg.gather [hbm4b:s16+s1], $0x80, v2, vm0, $0xb8;
	[tilespmem:$0x10080] =	vst v63  }
0xbf: {  	s10 =	rddreg [dreg:$0x15];
	s13 =	simm.s32 $0x9080  }
0xc0: {  	[tilespmem:s13], [sflag:$0x1] =	stream.indirect_vreg.gather [hbm4b:s10+s1], $0x80, v2, vm0, $0xb8;
	[tilespmem:$0x10080] =	vst v63  }
0xc1: {  	s12 =	rddreg [dreg:$0x16]  }
0xc2: {  	[tilespmem:s17], [sflag:$0x1] =	stream.indirect_vreg.gather [hbm4b:s12+s1], $0x80, v2, vm0, $0xb8;
	[tilespmem:$0x10080] =	vst v63  }
0xc3: {  	s14 =	rddreg [dreg:$0x17]  }
0xc4: {  	[tilespmem:s18], [sflag:$0x1] =	stream.indirect_vreg.gather [hbm4b:s14+s1], $0x80, v2, vm0, $0xb8;
	[tilespmem:$0x10080] =	vst v63  }
0xc5: {  	s15 =	rddreg [dreg:$0x18]  }
0xc6: {  	[tilespmem:s19], [sflag:$0x1] =	stream.indirect_vreg.gather [hbm4b:s15+s1], $0x80, v2, vm0, $0xb8;
	[tilespmem:$0x10080] =	vst v63  }
0xc7: {  	s16 =	rddreg [dreg:$0x19]  }
0xc8: {  	[tilespmem:s20], [sflag:$0x1] =	stream.indirect_vreg.gather [hbm4b:s16+s1], $0x80, v2, vm0, $0xb8;
	[tilespmem:$0x10080] =	vst v63  }
0xc9: {  	s9 =	rddreg [dreg:$0x1b]  }
0xca: {  	[tilespmem:s21], [sflag:$0x1] =	stream.indirect_vreg.gather [hbm4b:s8+s1], $0x80, v2, vm0, $0xb8;
	[tilespmem:$0x10080] =	vst v63  }
0xcb: {  	s11 =	rddreg [dreg:$0x1d]  }
0xcc: {  	[tilespmem:s22], [sflag:$0x1] =	stream.indirect_vreg.gather [hbm4b:s9+s1], $0x80, v2, vm0, $0xb8;
	[tilespmem:$0x10080] =	vst v63  }
0xcd: {  	s10 =	rddreg [dreg:$0x1c]  }
0xce: {  	[tilespmem:s23], [sflag:$0x1] =	stream.indirect_vreg.gather [hbm4b:s10+s1], $0x80, v2, vm0, $0xb8;
	[tilespmem:$0x10080] =	vst v63  }
0xcf: {  	s13 =	rddreg [dreg:$0x1f]  }
0xd0: {  	[tilespmem:s24], [sflag:$0x1] =	stream.indirect_vreg.gather [hbm4b:s11+s1], $0x80, v2, vm0, $0xb8;
	[tilespmem:$0x10080] =	vst v63  }
0xd1: {  	s12 =	rddreg [dreg:$0x1e]  }
0xd2: {  	[tilespmem:s25], [sflag:$0x1] =	stream.indirect_vreg.gather [hbm4b:s12+s1], $0x80, v2, vm0, $0xb8;
	[tilespmem:$0x10080] =	vst v63  }
0xd3: {  	s14 =	sld [smem:$0x7EF]  }
0xd4: {  	[tilespmem:s26], [sflag:$0x1] =	stream.indirect_vreg.gather [hbm4b:s13+s1], $0x80, v2, vm0, $0xb8;
	[tilespmem:$0x10080] =	vst v63  }
0xd5: {  	s15 =	sld [smem:$0x7F0]  }
0xd6: {  	[tilespmem:s28], [sflag:$0x1] =	stream.indirect_vreg.gather [hbm4b:s14+s1], $0x80, v2, vm0, $0xb8;
	[tilespmem:$0x10080] =	vst v63  }
0xd7: {  	s16 =	sld [smem:$0x7F1]  }
0xd8: {  	[tilespmem:s29], [sflag:$0x1] =	stream.indirect_vreg.gather [hbm4b:s15+s1], $0x80, v2, vm0, $0xb8;
	[tilespmem:$0x10080] =	vst v63  }
0xd9: {  	_ = 	snop  }
0xda: {  	[tilespmem:s30], [sflag:$0x1] =	stream.indirect_vreg.gather [hbm4b:s16+s1], $0x80, v2, vm0, $0xb8;
	[tilespmem:$0x10080] =	vst v63  }
0xdb: {  	_ =	swait.ge [sflag:s31], $0x10000  }
.Ltmp0:
0xdc: {  	[sflag:s31] =	ssyncset.done $0x0;
	(pc) =	sbr.rel @p0 .LBB2_2-.Ltmp0, $4  }
0xdd: {  	[sflag:s31] =	ssyncadd.s32 $0xFFFF0000  }
0xde: {  	[hbm4b:s2+s1] =	stream.linear.scatter [tilespmem:s7], [sflag:$0x2], $0x10000, $0x38;
	[tilespmem:$0x10080] =	vst v63  }
0xdf: {  	_ =	swait.ge [sflag:s6], $0x10000  }
0xe0: {  	s5 =	smov.u32 s4;
	s2 =	sadd.s32 $0x2000, s2;
	[sflag:s6] =	ssyncset.done $0x0  }
0xe1: {  	s0 =	sshra.s32 s3, $0x2;
	[sflag:s6] =	ssyncadd.s32 $0xFFFF0000  }
0xe2: {  	v2 =	vld.msk [tilespmem:s0+$0x0], $0xff;
	_ =	sdelay $0x3  }
0xe3: {  	s8 =	sld [smem:$0x7F3]  }
0xe4: {  	s9 =	rddreg [dreg:$0x3];
	v3 =	vshll.u32 v2, $0x6  }
0xe5: {  	s4 =	sld [smem:$0x7F2];
	v2 =	vand.u32 $0x7, v2;
	v3 =	vand.u32 $0xFFFFFE00, v3  }
0xe6: {  	s5 =	rddreg [dreg:$0x4];
	v2 =	vor.u32 v2, v3  }
0xe7: {  	s10 =	rddreg [dreg:$0x5];
	v2 =	vperm.xlane v2, v0  }
0xe8: {  	s11 =	sld [smem:$0x7F4]  }
0xe9: {  	s12 =	rddreg [dreg:$0x6];
	v2 =	vadd.s32 v1, v2  }
0xea: {  	s13 =	sld [smem:$0x7F6]  }
0xeb: {  	s14 =	rddreg [dreg:$0x7]  }
0xec: {  	s15 =	sld [smem:$0x7F8]  }
0xed: {  	s16 =	rddreg [dreg:$0x8]  }
0xee: {  	[tilespmem:s7], [sflag:$0x1] =	stream.indirect_vreg.gather [hbm4b:s9+s1], $0x80, v2, vm0, $0xb8;
	[tilespmem:$0x10080] =	vst v63  }
0xef: {  	s3 =	sld [smem:$0x7F9]  }
0xf0: {  	[tilespmem:s4], [sflag:$0x1] =	stream.indirect_vreg.gather [hbm4b:s5+s1], $0x80, v2, vm0, $0xb8;
	[tilespmem:$0x10080] =	vst v63  }
0xf1: {  	s9 =	sld [smem:$0x7FA]  }
0xf2: {  	[tilespmem:s8], [sflag:$0x1] =	stream.indirect_vreg.gather [hbm4b:s10+s1], $0x80, v2, vm0, $0xb8;
	[tilespmem:$0x10080] =	vst v63  }
0xf3: {  	s4 =	rddreg [dreg:$0x1a]  }
0xf4: {  	[tilespmem:s11], [sflag:$0x1] =	stream.indirect_vreg.gather [hbm4b:s12+s1], $0x80, v2, vm0, $0xb8;
	[tilespmem:$0x10080] =	vst v63  }
0xf5: {  	s8 =	rddreg [dreg:$0x9]  }
0xf6: {  	[tilespmem:s13], [sflag:$0x1] =	stream.indirect_vreg.gather [hbm4b:s14+s1], $0x80, v2, vm0, $0xb8;
	[tilespmem:$0x10080] =	vst v63  }
0xf7: {  	s10 =	rddreg [dreg:$0xa]  }
0xf8: {  	[tilespmem:s15], [sflag:$0x1] =	stream.indirect_vreg.gather [hbm4b:s16+s1], $0x80, v2, vm0, $0xb8;
	[tilespmem:$0x10080] =	vst v63  }
0xf9: {  	s11 =	sld [smem:$0x7FC]  }
0xfa: {  	[tilespmem:s3], [sflag:$0x1] =	stream.indirect_vreg.gather [hbm4b:s8+s1], $0x80, v2, vm0, $0xb8;
	[tilespmem:$0x10080] =	vst v63  }
0xfb: {  	s12 =	rddreg [dreg:$0xb]  }
0xfc: {  	[tilespmem:s9], [sflag:$0x1] =	stream.indirect_vreg.gather [hbm4b:s10+s1], $0x80, v2, vm0, $0xb8;
	[tilespmem:$0x10080] =	vst v63  }
0xfd: {  	s13 =	sld [smem:$0x7FD]  }
0xfe: {  	[tilespmem:s11], [sflag:$0x1] =	stream.indirect_vreg.gather [hbm4b:s12+s1], $0x80, v2, vm0, $0xb8;
	[tilespmem:$0x10080] =	vst v63  }
0xff: {  	s14 =	rddreg [dreg:$0xc]  }
0x100: {  	[tilespmem:s13], [sflag:$0x1] =	stream.indirect_vreg.gather [hbm4b:s14+s1], $0x80, v2, vm0, $0xb8;
	[tilespmem:$0x10080] =	vst v63  }
0x101: {  	s5 =	simm.s32 $0x5080;
	s15 =	rddreg [dreg:$0xd]  }
0x102: {  	[tilespmem:s5], [sflag:$0x1] =	stream.indirect_vreg.gather [hbm4b:s15+s1], $0x80, v2, vm0, $0xb8;
	[tilespmem:$0x10080] =	vst v63  }
0x103: {  	s16 =	rddreg [dreg:$0xe];
	s9 =	simm.s32 $0x5880  }
0x104: {  	[tilespmem:s9], [sflag:$0x1] =	stream.indirect_vreg.gather [hbm4b:s16+s1], $0x80, v2, vm0, $0xb8;
	[tilespmem:$0x10080] =	vst v63  }
0x105: {  	s8 =	rddreg [dreg:$0xf];
	s11 =	simm.s32 $0x6080  }
0x106: {  	[tilespmem:s11], [sflag:$0x1] =	stream.indirect_vreg.gather [hbm4b:s8+s1], $0x80, v2, vm0, $0xb8;
	[tilespmem:$0x10080] =	vst v63  }
0x107: {  	s10 =	rddreg [dreg:$0x10];
	s13 =	simm.s32 $0x6880  }
0x108: {  	[tilespmem:s13], [sflag:$0x1] =	stream.indirect_vreg.gather [hbm4b:s10+s1], $0x80, v2, vm0, $0xb8;
	[tilespmem:$0x10080] =	vst v63  }
0x109: {  	s12 =	rddreg [dreg:$0x11];
	s15 =	simm.s32 $0x7080  }
0x10a: {  	[tilespmem:s15], [sflag:$0x1] =	stream.indirect_vreg.gather [hbm4b:s12+s1], $0x80, v2, vm0, $0xb8;
	[tilespmem:$0x10080] =	vst v63  }
0x10b: {  	s14 =	rddreg [dreg:$0x12];
	s5 =	simm.s32 $0x7880  }
0x10c: {  	[tilespmem:s5], [sflag:$0x1] =	stream.indirect_vreg.gather [hbm4b:s14+s1], $0x80, v2, vm0, $0xb8;
	[tilespmem:$0x10080] =	vst v63  }
0x10d: {  	s16 =	rddreg [dreg:$0x13];
	s9 =	simm.s32 $0x8080  }
0x10e: {  	[tilespmem:s9], [sflag:$0x1] =	stream.indirect_vreg.gather [hbm4b:s16+s1], $0x80, v2, vm0, $0xb8;
	[tilespmem:$0x10080] =	vst v63  }
0x10f: {  	s8 =	rddreg [dreg:$0x14];
	s11 =	simm.s32 $0x8880  }
0x110: {  	[tilespmem:s11], [sflag:$0x1] =	stream.indirect_vreg.gather [hbm4b:s8+s1], $0x80, v2, vm0, $0xb8;
	[tilespmem:$0x10080] =	vst v63  }
0x111: {  	s10 =	rddreg [dreg:$0x15];
	s13 =	simm.s32 $0x9080  }
0x112: {  	[tilespmem:s13], [sflag:$0x1] =	stream.indirect_vreg.gather [hbm4b:s10+s1], $0x80, v2, vm0, $0xb8;
	[tilespmem:$0x10080] =	vst v63  }
0x113: {  	s12 =	rddreg [dreg:$0x16]  }
0x114: {  	[tilespmem:s17], [sflag:$0x1] =	stream.indirect_vreg.gather [hbm4b:s12+s1], $0x80, v2, vm0, $0xb8;
	[tilespmem:$0x10080] =	vst v63  }
0x115: {  	s14 =	rddreg [dreg:$0x17]  }
0x116: {  	[tilespmem:s18], [sflag:$0x1] =	stream.indirect_vreg.gather [hbm4b:s14+s1], $0x80, v2, vm0, $0xb8;
	[tilespmem:$0x10080] =	vst v63  }
0x117: {  	s15 =	rddreg [dreg:$0x18]  }
0x118: {  	[tilespmem:s19], [sflag:$0x1] =	stream.indirect_vreg.gather [hbm4b:s15+s1], $0x80, v2, vm0, $0xb8;
	[tilespmem:$0x10080] =	vst v63  }
0x119: {  	s16 =	rddreg [dreg:$0x19]  }
0x11a: {  	[tilespmem:s20], [sflag:$0x1] =	stream.indirect_vreg.gather [hbm4b:s16+s1], $0x80, v2, vm0, $0xb8;
	[tilespmem:$0x10080] =	vst v63  }
0x11b: {  	s5 =	rddreg [dreg:$0x1b]  }
0x11c: {  	[tilespmem:s21], [sflag:$0x1] =	stream.indirect_vreg.gather [hbm4b:s4+s1], $0x80, v2, vm0, $0xb8;
	[tilespmem:$0x10080] =	vst v63  }
0x11d: {  	s9 =	rddreg [dreg:$0x1d]  }
0x11e: {  	[tilespmem:s22], [sflag:$0x1] =	stream.indirect_vreg.gather [hbm4b:s5+s1], $0x80, v2, vm0, $0xb8;
	[tilespmem:$0x10080] =	vst v63  }
0x11f: {  	s8 =	rddreg [dreg:$0x1c]  }
0x120: {  	[tilespmem:s23], [sflag:$0x1] =	stream.indirect_vreg.gather [hbm4b:s8+s1], $0x80, v2, vm0, $0xb8;
	[tilespmem:$0x10080] =	vst v63  }
0x121: {  	s11 =	rddreg [dreg:$0x1f]  }
0x122: {  	[tilespmem:s24], [sflag:$0x1] =	stream.indirect_vreg.gather [hbm4b:s9+s1], $0x80, v2, vm0, $0xb8;
	[tilespmem:$0x10080] =	vst v63  }
0x123: {  	s10 =	rddreg [dreg:$0x1e]  }
0x124: {  	[tilespmem:s25], [sflag:$0x1] =	stream.indirect_vreg.gather [hbm4b:s10+s1], $0x80, v2, vm0, $0xb8;
	[tilespmem:$0x10080] =	vst v63  }
0x125: {  	s12 =	sld [smem:$0x7EF]  }
0x126: {  	[tilespmem:s26], [sflag:$0x1] =	stream.indirect_vreg.gather [hbm4b:s11+s1], $0x80, v2, vm0, $0xb8;
	[tilespmem:$0x10080] =	vst v63  }
0x127: {  	s13 =	sld [smem:$0x7F0]  }
0x128: {  	[tilespmem:s28], [sflag:$0x1] =	stream.indirect_vreg.gather [hbm4b:s12+s1], $0x80, v2, vm0, $0xb8;
	[tilespmem:$0x10080] =	vst v63  }
0x129: {  	s14 =	sld [smem:$0x7F1]  }
0x12a: {  	[tilespmem:s29], [sflag:$0x1] =	stream.indirect_vreg.gather [hbm4b:s13+s1], $0x80, v2, vm0, $0xb8;
	[tilespmem:$0x10080] =	vst v63  }
0x12b: {  	_ = 	snop  }
0x12c: {  	[tilespmem:s30], [sflag:$0x1] =	stream.indirect_vreg.gather [hbm4b:s14+s1], $0x80, v2, vm0, $0xb8;
	[tilespmem:$0x10080] =	vst v63  }
0x12d: {  	_ =	swait.ge [sflag:s31], $0x10000  }
0x12e: {  	[sflag:s31] =	ssyncset.done $0x0  }
0x12f: {  	[sflag:s31] =	ssyncadd.s32 $0xFFFF0000  }
0x130: {  	[hbm4b:s2+s1] =	stream.linear.scatter [tilespmem:s7], [sflag:$0x2], $0x10000, $0x38;
	[tilespmem:$0x10080] =	vst v63  }
0x131: {  	_ =	swait.ge [sflag:s6], $0x10000  }
0x132: {  	s15 =	sld [smem:$0x7EE]  }
0x133: {  	s16 =	sld [smem:$0x7F7];
	_ =	sdelay $0x1  }
0x134: {  	s2 =	sadd.s32 $0x1, s15  }
0x135: {  	p0 =	sne.s32 s2, s16  }
.Ltmp1:
0x136: {  	_ = 	snop;
	(pc) =	sbr.rel @p0 .LBB2_1-.Ltmp1, $3  }
0x137: {  	_ =	sdelay $0x1  }
0x138: {  	[sflag:s6] =	ssyncset.done $0x0  }
0x139: {  	[sflag:s6] =	ssyncadd.s32 $0xFFFF0000  }
0x13a: {  	_ =	sfence.sel $0x180000  }
0x13b: {  	[bflag:$0x0] =	sbarrier.arrive $0xFFFF  }
0x13c: {  	_ =	strace $0x90000047  }
0x13d: {  	s0 =	stileid.u32;
	[bflag:$0x2] =	sbarrier.arrive $0xFFFF  }
0x13e: {  	p0 =	sne.s32 s0, $0x0;
	s0 =	rddreg [dreg:$0x2]  }
0x13f: {  	s0 =	sadd.s32 @!p0 $0x100000, s0  }
0x140: {  	[sflag:s0] =	ssyncadd.tile.s32 @!p0 $0x1;
	_ =	shalt  }
.Lfunc_end2:
_tile_overlayer_lowered:
.L_overlay_start_2:
0x141: {  	(tag) =	ssettag $0x2  }
0x142: {  	s0 =	rddreg [dreg:$0x0];
	s2 =	stileid.u32  }
0x143: {  	s1 =	rddreg [dreg:$0x1];
	p0 =	sne.s32 s2, $0x0  }
0x144: {  	s3 =	rddreg [dreg:$0x2];
	[bflag:$0x3] =	sbarrier.arrive $0xFFFF;
	s2 =	simm.s32 @!p0 $0x1C02  }
0x145: {  	[timem:s3], [sflag:s2] =	dma.local @!p0 [hbm:s0], s1  }
0x146: {  	s0 =	simm.s32 @!p0 $0x2  }
0x147: {  	_ =	swait.ge @!p0 [sflag:s0], s1  }
0x148: {  	s1 =	ssub.s32 @!p0 $0x0, s1;
	[sflag:s0] =	ssyncset.done @!p0 $0x0  }
0x149: {  	[sflag:s0] =	ssyncadd.s32 @!p0 s1  }
0x14a: {  	[bflag:$0x3] =	sbarrier.arrive $0xFFFF  }
0x14b: {  	_ =	shalt  }

</sc_bundles>
